<compile_context>
chip_gen: v7x
topology: tpu7x:2x2x1
jax: 0.10.2.dev20260603
libtpu: 0.0.44.dev20260713+nightly
codegen_flags: <defaults>
</compile_context>

<pallas_src>
import functools

import jax
import jax.numpy as jnp
from jax.experimental import pallas as pl
from jax.experimental.pallas import tpu as pltpu

NEIGHBOURS = 8


def _gcn_body(x_ref, ut_ref, vt_ref, ub_ref, vb_ref, o_ref, *, t, nj):
    xb = x_ref[0]
    xg = [xb[jj] for jj in range(nj)]

    sims = [
        jax.lax.dot_general(
            xj, xj, (((1,), (1,)), ((), ())),
            preferred_element_type=jnp.float32,
        )
        for xj in xg
    ]
    sim3 = jnp.stack(sims, axis=0)

    neg = jnp.float32(-jnp.inf)
    work = sim3
    thr = None
    for it in range(NEIGHBOURS):
        thr = jnp.max(work, axis=1, keepdims=True)
        if it < NEIGHBOURS - 1:
            work = jnp.where(work >= thr, neg, work)

    adjt3 = (sim3 >= thr).astype(jnp.float32)
    deg3 = jnp.sum(adjt3, axis=1, keepdims=True)
    dinv3 = jax.lax.rsqrt(jnp.transpose(deg3, (0, 2, 1)))

    vt = vt_ref[...]
    ut = ut_ref[...]
    vb = vb_ref[...]
    ub = ub_ref[...]
    outs = []
    for i in range(nj):
        dinv = dinv3[i]
        vx = jnp.dot(xg[i], vt, preferred_element_type=jnp.float32) + vb
        agg = jax.lax.dot_general(
            adjt3[i], vx * dinv, (((0,), (0,)), ((), ())),
            preferred_element_type=jnp.float32,
        ) * dinv
        ux = jnp.dot(xg[i], ut, preferred_element_type=jnp.float32) + ub
        outs.append(jnp.maximum(xg[i] + agg + ux, 0.0))
    o_ref[0] = jnp.stack(outs, axis=0)


@jax.jit
def kernel(x, U_w, U_b, V_w, V_b):
    b, t, j, c = x.shape
    xt = jnp.transpose(x, (0, 2, 1, 3))
    ut = U_w.T
    vt = V_w.T
    ub = U_b.reshape(1, c)
    vb = V_b.reshape(1, c)

    outt = pl.pallas_call(
        functools.partial(_gcn_body, t=t, nj=j),
        grid=(b,),
        in_specs=[
            pl.BlockSpec((1, j, t, c), lambda bi: (bi, 0, 0, 0)),
            pl.BlockSpec((c, c), lambda bi: (0, 0)),
            pl.BlockSpec((c, c), lambda bi: (0, 0)),
            pl.BlockSpec((1, c), lambda bi: (0, 0)),
            pl.BlockSpec((1, c), lambda bi: (0, 0)),
        ],
        out_specs=pl.BlockSpec((1, j, t, c), lambda bi: (bi, 0, 0, 0)),
        out_shape=jax.ShapeDtypeStruct((b, j, t, c), jnp.float32),
        compiler_params=pltpu.CompilerParams(
            dimension_semantics=("parallel",),
        ),
    )(xt, ut, vt, ub, vb)
    return jnp.transpose(outt, (0, 2, 1, 3))

# --- scband reference (transcript-rebuilt; emitter-appended) ---
"""Pipeline reference for scband-gcn-22471268893103 (READ-ONLY COPY).

The authoritative reference and input builder live on the scoring server;
editing this copy changes nothing except your own understanding.
"""

import jax, jax.numpy as jnp
import numpy as np

NEIGHBOUR_NUM = 8


def setup_inputs(seed: int = 0) -> dict:
    key = jax.random.key(seed)
    ks = jax.random.split(key, 5)
    d_in, d_out = 256, 256
    x = jax.random.normal(ks[0], (32, 243, 17, d_in), dtype=jnp.float32)
    # nn.Linear params: weight [out, in], bias [out]; init ~ N(0, sqrt(2/dim_in)) per _init_gcn
    U_w = jax.random.normal(ks[1], (d_out, d_in), dtype=jnp.float32) * np.sqrt(2.0 / d_in)
    U_b = jnp.zeros((d_out,), dtype=jnp.float32)
    V_w = jax.random.normal(ks[2], (d_out, d_in), dtype=jnp.float32) * np.sqrt(2.0 / d_in)
    V_b = jnp.zeros((d_out,), dtype=jnp.float32)
    return {"x": x, "U_w": U_w, "U_b": U_b, "V_w": V_w, "V_b": V_b}


def _normalize_digraph(adj):
    b, n, _ = adj.shape
    node_degrees = jnp.sum(jax.lax.stop_gradient(adj), axis=-1)
    deg_inv_sqrt = node_degrees ** -0.5
    eye = jnp.eye(n, dtype=adj.dtype)
    norm_deg_matrix = eye[None, :, :] * deg_inv_sqrt[:, :, None]
    norm_adj = jnp.matmul(jnp.matmul(norm_deg_matrix, adj), norm_deg_matrix)
    return norm_adj


def reference(x, U_w, U_b, V_w, V_b):
    # temporal-mode GCN with use_temporal_similarity=True (MotionAGFormer-style)
    b, t, j, c = x.shape
    xr = jnp.transpose(x, (0, 2, 1, 3)).reshape(b * j, t, c)  # each joint's time series
    # dynamic adjacency from top-k similarity
    similarity = jnp.matmul(xr, jnp.transpose(xr, (0, 2, 1)))  # [b*j, t, t]
    topk_vals, _ = jax.lax.top_k(similarity, NEIGHBOUR_NUM)
    threshold = topk_vals[..., -1].reshape(b * j, t, 1)
    adj = (similarity >= threshold).astype(jnp.float32)
    norm_adj = _normalize_digraph(adj)
    Vx = jnp.matmul(xr, V_w.T) + V_b
    aggregate = jnp.matmul(norm_adj, Vx)
    Ux = jnp.matmul(xr, U_w.T) + U_b
    out = jax.nn.relu(xr + aggregate + Ux)
    out = jnp.transpose(out.reshape(b, j, t, -1), (0, 2, 1, 3))
    return out

if __name__ == "__main__":
    import jax
    _d = setup_inputs()
    print(jax.jit(kernel)(*tuple(_d.values())))

</pallas_src>

<mosaic_0001>
module attributes {stable_mosaic.version = 14 : i64} {
  func.func @_gcn_body(%arg0: i32, %arg1: memref<1x17x243x256xf32, #tpu.memory_space<vmem>>, %arg2: memref<256x256xf32, #tpu.memory_space<vmem>>, %arg3: memref<256x256xf32, #tpu.memory_space<vmem>>, %arg4: memref<1x256xf32, #tpu.memory_space<vmem>>, %arg5: memref<1x256xf32, #tpu.memory_space<vmem>>, %arg6: memref<1x17x243x256xf32, #tpu.memory_space<vmem>>) attributes {dimension_semantics = [#tpu.dimension_semantics<parallel>], iteration_bounds = array<i64: 32>, scalar_prefetch = 0 : i64, scratch_operands = 0 : i64, tpu.core_type = #tpu.core_type<tc>, window_params = [{transform_indices = @transform_0, window_bounds = array<i64: 1, 17, 243, 256>}, {pipeline_mode = #tpu.pipeline_mode<synchronous>, transform_indices = @transform_1, window_bounds = array<i64: 256, 256>}, {pipeline_mode = #tpu.pipeline_mode<synchronous>, transform_indices = @transform_2, window_bounds = array<i64: 256, 256>}, {pipeline_mode = #tpu.pipeline_mode<synchronous>, transform_indices = @transform_3, window_bounds = array<i64: 1, 256>}, {pipeline_mode = #tpu.pipeline_mode<synchronous>, transform_indices = @transform_4, window_bounds = array<i64: 1, 256>}, {transform_indices = @transform_5, window_bounds = array<i64: 1, 17, 243, 256>}]} {
    %get3A = arith.constant 0 : index
    %get3A_0 = arith.constant 0 : index
    %get3A_1 = arith.constant 0 : index
    %get3A_2 = arith.constant 0 : index
    %get3A_3 = vector.load %arg1[%get3A, %get3A_0, %get3A_1, %get3A_2] : memref<1x17x243x256xf32, #tpu.memory_space<vmem>>, vector<1x17x243x256xf32>
    %get3A_4 = vector.shape_cast %get3A_3 : vector<1x17x243x256xf32> to vector<17x243x256xf32>
    %slice3A = vector.extract_strided_slice %get3A_4 {offsets = [0, 0, 0], sizes = [1, 243, 256], strides = [1, 1, 1]} : vector<17x243x256xf32> to vector<1x243x256xf32>
    %squeeze3A = vector.shape_cast %slice3A : vector<1x243x256xf32> to vector<243x256xf32>
    %slice3A_5 = vector.extract_strided_slice %get3A_4 {offsets = [1, 0, 0], sizes = [1, 243, 256], strides = [1, 1, 1]} : vector<17x243x256xf32> to vector<1x243x256xf32>
    %squeeze3A_6 = vector.shape_cast %slice3A_5 : vector<1x243x256xf32> to vector<243x256xf32>
    %slice3A_7 = vector.extract_strided_slice %get3A_4 {offsets = [2, 0, 0], sizes = [1, 243, 256], strides = [1, 1, 1]} : vector<17x243x256xf32> to vector<1x243x256xf32>
    %squeeze3A_8 = vector.shape_cast %slice3A_7 : vector<1x243x256xf32> to vector<243x256xf32>
    %slice3A_9 = vector.extract_strided_slice %get3A_4 {offsets = [3, 0, 0], sizes = [1, 243, 256], strides = [1, 1, 1]} : vector<17x243x256xf32> to vector<1x243x256xf32>
    %squeeze3A_10 = vector.shape_cast %slice3A_9 : vector<1x243x256xf32> to vector<243x256xf32>
    %slice3A_11 = vector.extract_strided_slice %get3A_4 {offsets = [4, 0, 0], sizes = [1, 243, 256], strides = [1, 1, 1]} : vector<17x243x256xf32> to vector<1x243x256xf32>
    %squeeze3A_12 = vector.shape_cast %slice3A_11 : vector<1x243x256xf32> to vector<243x256xf32>
    %slice3A_13 = vector.extract_strided_slice %get3A_4 {offsets = [5, 0, 0], sizes = [1, 243, 256], strides = [1, 1, 1]} : vector<17x243x256xf32> to vector<1x243x256xf32>
    %squeeze3A_14 = vector.shape_cast %slice3A_13 : vector<1x243x256xf32> to vector<243x256xf32>
    %slice3A_15 = vector.extract_strided_slice %get3A_4 {offsets = [6, 0, 0], sizes = [1, 243, 256], strides = [1, 1, 1]} : vector<17x243x256xf32> to vector<1x243x256xf32>
    %squeeze3A_16 = vector.shape_cast %slice3A_15 : vector<1x243x256xf32> to vector<243x256xf32>
    %slice3A_17 = vector.extract_strided_slice %get3A_4 {offsets = [7, 0, 0], sizes = [1, 243, 256], strides = [1, 1, 1]} : vector<17x243x256xf32> to vector<1x243x256xf32>
    %squeeze3A_18 = vector.shape_cast %slice3A_17 : vector<1x243x256xf32> to vector<243x256xf32>
    %slice3A_19 = vector.extract_strided_slice %get3A_4 {offsets = [8, 0, 0], sizes = [1, 243, 256], strides = [1, 1, 1]} : vector<17x243x256xf32> to vector<1x243x256xf32>
    %squeeze3A_20 = vector.shape_cast %slice3A_19 : vector<1x243x256xf32> to vector<243x256xf32>
    %slice3A_21 = vector.extract_strided_slice %get3A_4 {offsets = [9, 0, 0], sizes = [1, 243, 256], strides = [1, 1, 1]} : vector<17x243x256xf32> to vector<1x243x256xf32>
    %squeeze3A_22 = vector.shape_cast %slice3A_21 : vector<1x243x256xf32> to vector<243x256xf32>
    %slice3A_23 = vector.extract_strided_slice %get3A_4 {offsets = [10, 0, 0], sizes = [1, 243, 256], strides = [1, 1, 1]} : vector<17x243x256xf32> to vector<1x243x256xf32>
    %squeeze3A_24 = vector.shape_cast %slice3A_23 : vector<1x243x256xf32> to vector<243x256xf32>
    %slice3A_25 = vector.extract_strided_slice %get3A_4 {offsets = [11, 0, 0], sizes = [1, 243, 256], strides = [1, 1, 1]} : vector<17x243x256xf32> to vector<1x243x256xf32>
    %squeeze3A_26 = vector.shape_cast %slice3A_25 : vector<1x243x256xf32> to vector<243x256xf32>
    %slice3A_27 = vector.extract_strided_slice %get3A_4 {offsets = [12, 0, 0], sizes = [1, 243, 256], strides = [1, 1, 1]} : vector<17x243x256xf32> to vector<1x243x256xf32>
    %squeeze3A_28 = vector.shape_cast %slice3A_27 : vector<1x243x256xf32> to vector<243x256xf32>
    %slice3A_29 = vector.extract_strided_slice %get3A_4 {offsets = [13, 0, 0], sizes = [1, 243, 256], strides = [1, 1, 1]} : vector<17x243x256xf32> to vector<1x243x256xf32>
    %squeeze3A_30 = vector.shape_cast %slice3A_29 : vector<1x243x256xf32> to vector<243x256xf32>
    %slice3A_31 = vector.extract_strided_slice %get3A_4 {offsets = [14, 0, 0], sizes = [1, 243, 256], strides = [1, 1, 1]} : vector<17x243x256xf32> to vector<1x243x256xf32>
    %squeeze3A_32 = vector.shape_cast %slice3A_31 : vector<1x243x256xf32> to vector<243x256xf32>
    %slice3A_33 = vector.extract_strided_slice %get3A_4 {offsets = [15, 0, 0], sizes = [1, 243, 256], strides = [1, 1, 1]} : vector<17x243x256xf32> to vector<1x243x256xf32>
    %squeeze3A_34 = vector.shape_cast %slice3A_33 : vector<1x243x256xf32> to vector<243x256xf32>
    %slice3A_35 = vector.extract_strided_slice %get3A_4 {offsets = [16, 0, 0], sizes = [1, 243, 256], strides = [1, 1, 1]} : vector<17x243x256xf32> to vector<1x243x256xf32>
    %squeeze3A_36 = vector.shape_cast %slice3A_35 : vector<1x243x256xf32> to vector<243x256xf32>
    %dot_general3A = arith.constant dense<0.000000e+00> : vector<243x243xf32>
    %dot_general3A_37 = tpu.matmul %squeeze3A, %squeeze3A, %dot_general3A {dimension_numbers = #tpu.dot_dimension_numbers<[1], [1], [0], [0], [0, 0, 1, 0], [], []>, transpose_lhs_hint = false} : vector<243x256xf32>, vector<243x256xf32>, vector<243x243xf32> -> vector<243x243xf32>
    %dot_general3A_38 = arith.constant dense<0.000000e+00> : vector<243x243xf32>
    %dot_general3A_39 = tpu.matmul %squeeze3A_6, %squeeze3A_6, %dot_general3A_38 {dimension_numbers = #tpu.dot_dimension_numbers<[1], [1], [0], [0], [0, 0, 1, 0], [], []>, transpose_lhs_hint = false} : vector<243x256xf32>, vector<243x256xf32>, vector<243x243xf32> -> vector<243x243xf32>
    %dot_general3A_40 = arith.constant dense<0.000000e+00> : vector<243x243xf32>
    %dot_general3A_41 = tpu.matmul %squeeze3A_8, %squeeze3A_8, %dot_general3A_40 {dimension_numbers = #tpu.dot_dimension_numbers<[1], [1], [0], [0], [0, 0, 1, 0], [], []>, transpose_lhs_hint = false} : vector<243x256xf32>, vector<243x256xf32>, vector<243x243xf32> -> vector<243x243xf32>
    %dot_general3A_42 = arith.constant dense<0.000000e+00> : vector<243x243xf32>
    %dot_general3A_43 = tpu.matmul %squeeze3A_10, %squeeze3A_10, %dot_general3A_42 {dimension_numbers = #tpu.dot_dimension_numbers<[1], [1], [0], [0], [0, 0, 1, 0], [], []>, transpose_lhs_hint = false} : vector<243x256xf32>, vector<243x256xf32>, vector<243x243xf32> -> vector<243x243xf32>
    %dot_general3A_44 = arith.constant dense<0.000000e+00> : vector<243x243xf32>
    %dot_general3A_45 = tpu.matmul %squeeze3A_12, %squeeze3A_12, %dot_general3A_44 {dimension_numbers = #tpu.dot_dimension_numbers<[1], [1], [0], [0], [0, 0, 1, 0], [], []>, transpose_lhs_hint = false} : vector<243x256xf32>, vector<243x256xf32>, vector<243x243xf32> -> vector<243x243xf32>
    %dot_general3A_46 = arith.constant dense<0.000000e+00> : vector<243x243xf32>
    %dot_general3A_47 = tpu.matmul %squeeze3A_14, %squeeze3A_14, %dot_general3A_46 {dimension_numbers = #tpu.dot_dimension_numbers<[1], [1], [0], [0], [0, 0, 1, 0], [], []>, transpose_lhs_hint = false} : vector<243x256xf32>, vector<243x256xf32>, vector<243x243xf32> -> vector<243x243xf32>
    %dot_general3A_48 = arith.constant dense<0.000000e+00> : vector<243x243xf32>
    %dot_general3A_49 = tpu.matmul %squeeze3A_16, %squeeze3A_16, %dot_general3A_48 {dimension_numbers = #tpu.dot_dimension_numbers<[1], [1], [0], [0], [0, 0, 1, 0], [], []>, transpose_lhs_hint = false} : vector<243x256xf32>, vector<243x256xf32>, vector<243x243xf32> -> vector<243x243xf32>
    %dot_general3A_50 = arith.constant dense<0.000000e+00> : vector<243x243xf32>
    %dot_general3A_51 = tpu.matmul %squeeze3A_18, %squeeze3A_18, %dot_general3A_50 {dimension_numbers = #tpu.dot_dimension_numbers<[1], [1], [0], [0], [0, 0, 1, 0], [], []>, transpose_lhs_hint = false} : vector<243x256xf32>, vector<243x256xf32>, vector<243x243xf32> -> vector<243x243xf32>
    %dot_general3A_52 = arith.constant dense<0.000000e+00> : vector<243x243xf32>
    %dot_general3A_53 = tpu.matmul %squeeze3A_20, %squeeze3A_20, %dot_general3A_52 {dimension_numbers = #tpu.dot_dimension_numbers<[1], [1], [0], [0], [0, 0, 1, 0], [], []>, transpose_lhs_hint = false} : vector<243x256xf32>, vector<243x256xf32>, vector<243x243xf32> -> vector<243x243xf32>
    %dot_general3A_54 = arith.constant dense<0.000000e+00> : vector<243x243xf32>
    %dot_general3A_55 = tpu.matmul %squeeze3A_22, %squeeze3A_22, %dot_general3A_54 {dimension_numbers = #tpu.dot_dimension_numbers<[1], [1], [0], [0], [0, 0, 1, 0], [], []>, transpose_lhs_hint = false} : vector<243x256xf32>, vector<243x256xf32>, vector<243x243xf32> -> vector<243x243xf32>
    %dot_general3A_56 = arith.constant dense<0.000000e+00> : vector<243x243xf32>
    %dot_general3A_57 = tpu.matmul %squeeze3A_24, %squeeze3A_24, %dot_general3A_56 {dimension_numbers = #tpu.dot_dimension_numbers<[1], [1], [0], [0], [0, 0, 1, 0], [], []>, transpose_lhs_hint = false} : vector<243x256xf32>, vector<243x256xf32>, vector<243x243xf32> -> vector<243x243xf32>
    %dot_general3A_58 = arith.constant dense<0.000000e+00> : vector<243x243xf32>
    %dot_general3A_59 = tpu.matmul %squeeze3A_26, %squeeze3A_26, %dot_general3A_58 {dimension_numbers = #tpu.dot_dimension_numbers<[1], [1], [0], [0], [0, 0, 1, 0], [], []>, transpose_lhs_hint = false} : vector<243x256xf32>, vector<243x256xf32>, vector<243x243xf32> -> vector<243x243xf32>
    %dot_general3A_60 = arith.constant dense<0.000000e+00> : vector<243x243xf32>
    %dot_general3A_61 = tpu.matmul %squeeze3A_28, %squeeze3A_28, %dot_general3A_60 {dimension_numbers = #tpu.dot_dimension_numbers<[1], [1], [0], [0], [0, 0, 1, 0], [], []>, transpose_lhs_hint = false} : vector<243x256xf32>, vector<243x256xf32>, vector<243x243xf32> -> vector<243x243xf32>
    %dot_general3A_62 = arith.constant dense<0.000000e+00> : vector<243x243xf32>
    %dot_general3A_63 = tpu.matmul %squeeze3A_30, %squeeze3A_30, %dot_general3A_62 {dimension_numbers = #tpu.dot_dimension_numbers<[1], [1], [0], [0], [0, 0, 1, 0], [], []>, transpose_lhs_hint = false} : vector<243x256xf32>, vector<243x256xf32>, vector<243x243xf32> -> vector<243x243xf32>
    %dot_general3A_64 = arith.constant dense<0.000000e+00> : vector<243x243xf32>
    %dot_general3A_65 = tpu.matmul %squeeze3A_32, %squeeze3A_32, %dot_general3A_64 {dimension_numbers = #tpu.dot_dimension_numbers<[1], [1], [0], [0], [0, 0, 1, 0], [], []>, transpose_lhs_hint = false} : vector<243x256xf32>, vector<243x256xf32>, vector<243x243xf32> -> vector<243x243xf32>
    %dot_general3A_66 = arith.constant dense<0.000000e+00> : vector<243x243xf32>
    %dot_general3A_67 = tpu.matmul %squeeze3A_34, %squeeze3A_34, %dot_general3A_66 {dimension_numbers = #tpu.dot_dimension_numbers<[1], [1], [0], [0], [0, 0, 1, 0], [], []>, transpose_lhs_hint = false} : vector<243x256xf32>, vector<243x256xf32>, vector<243x243xf32> -> vector<243x243xf32>
    %dot_general3A_68 = arith.constant dense<0.000000e+00> : vector<243x243xf32>
    %dot_general3A_69 = tpu.matmul %squeeze3A_36, %squeeze3A_36, %dot_general3A_68 {dimension_numbers = #tpu.dot_dimension_numbers<[1], [1], [0], [0], [0, 0, 1, 0], [], []>, transpose_lhs_hint = false} : vector<243x256xf32>, vector<243x256xf32>, vector<243x243xf32> -> vector<243x243xf32>
    %stack3A = vector.shape_cast %dot_general3A_37 : vector<243x243xf32> to vector<1x243x243xf32>
    %stack3A_70 = vector.shape_cast %dot_general3A_39 : vector<243x243xf32> to vector<1x243x243xf32>
    %stack3A_71 = vector.shape_cast %dot_general3A_41 : vector<243x243xf32> to vector<1x243x243xf32>
    %stack3A_72 = vector.shape_cast %dot_general3A_43 : vector<243x243xf32> to vector<1x243x243xf32>
    %stack3A_73 = vector.shape_cast %dot_general3A_45 : vector<243x243xf32> to vector<1x243x243xf32>
    %stack3A_74 = vector.shape_cast %dot_general3A_47 : vector<243x243xf32> to vector<1x243x243xf32>
    %stack3A_75 = vector.shape_cast %dot_general3A_49 : vector<243x243xf32> to vector<1x243x243xf32>
    %stack3A_76 = vector.shape_cast %dot_general3A_51 : vector<243x243xf32> to vector<1x243x243xf32>
    %stack3A_77 = vector.shape_cast %dot_general3A_53 : vector<243x243xf32> to vector<1x243x243xf32>
    %stack3A_78 = vector.shape_cast %dot_general3A_55 : vector<243x243xf32> to vector<1x243x243xf32>
    %stack3A_79 = vector.shape_cast %dot_general3A_57 : vector<243x243xf32> to vector<1x243x243xf32>
    %stack3A_80 = vector.shape_cast %dot_general3A_59 : vector<243x243xf32> to vector<1x243x243xf32>
    %stack3A_81 = vector.shape_cast %dot_general3A_61 : vector<243x243xf32> to vector<1x243x243xf32>
    %stack3A_82 = vector.shape_cast %dot_general3A_63 : vector<243x243xf32> to vector<1x243x243xf32>
    %stack3A_83 = vector.shape_cast %dot_general3A_65 : vector<243x243xf32> to vector<1x243x243xf32>
    %stack3A_84 = vector.shape_cast %dot_general3A_67 : vector<243x243xf32> to vector<1x243x243xf32>
    %stack3A_85 = vector.shape_cast %dot_general3A_69 : vector<243x243xf32> to vector<1x243x243xf32>
    %stack3A_86 = tpu.concatenate %stack3A, %stack3A_70, %stack3A_71, %stack3A_72, %stack3A_73, %stack3A_74, %stack3A_75, %stack3A_76, %stack3A_77, %stack3A_78, %stack3A_79, %stack3A_80, %stack3A_81, %stack3A_82, %stack3A_83, %stack3A_84, %stack3A_85 in 0 : vector<1x243x243xf32>, vector<1x243x243xf32>, vector<1x243x243xf32>, vector<1x243x243xf32>, vector<1x243x243xf32>, vector<1x243x243xf32>, vector<1x243x243xf32>, vector<1x243x243xf32>, vector<1x243x243xf32>, vector<1x243x243xf32>, vector<1x243x243xf32>, vector<1x243x243xf32>, vector<1x243x243xf32>, vector<1x243x243xf32>, vector<1x243x243xf32>, vector<1x243x243xf32>, vector<1x243x243xf32> -> vector<17x243x243xf32>
    %reduce_max3A = arith.constant dense<0xFF800000> : vector<17x243xf32>
    %reduce_max3A_87 = vector.multi_reduction <maximumf>, %stack3A_86, %reduce_max3A [1] : vector<17x243x243xf32> to vector<17x243xf32>
    %broadcast_in_dim3A = vector.shape_cast %reduce_max3A_87 : vector<17x243xf32> to vector<17x1x243xf32>
    %ge3A = vector.broadcast %broadcast_in_dim3A : vector<17x1x243xf32> to vector<17x243x243xf32>
    %ge3A_88 = arith.cmpf oge, %stack3A_86, %ge3A : vector<17x243x243xf32>
    %jit3A = arith.constant 0xFF800000 : f32
    %broadcast_in_dim3A_89 = vector.broadcast %jit3A : f32 to vector<17x243x243xf32>
    %select_n3A = arith.select %ge3A_88, %broadcast_in_dim3A_89, %stack3A_86 : vector<17x243x243xi1>, vector<17x243x243xf32>
    %reduce_max3A_90 = arith.constant dense<0xFF800000> : vector<17x243xf32>
    %reduce_max3A_91 = vector.multi_reduction <maximumf>, %select_n3A, %reduce_max3A_90 [1] : vector<17x243x243xf32> to vector<17x243xf32>
    %broadcast_in_dim3A_92 = vector.shape_cast %reduce_max3A_91 : vector<17x243xf32> to vector<17x1x243xf32>
    %ge3A_93 = vector.broadcast %broadcast_in_dim3A_92 : vector<17x1x243xf32> to vector<17x243x243xf32>
    %ge3A_94 = arith.cmpf oge, %select_n3A, %ge3A_93 : vector<17x243x243xf32>
    %jit3A_95 = arith.constant 0xFF800000 : f32
    %broadcast_in_dim3A_96 = vector.broadcast %jit3A_95 : f32 to vector<17x243x243xf32>
    %select_n3A_97 = arith.select %ge3A_94, %broadcast_in_dim3A_96, %select_n3A : vector<17x243x243xi1>, vector<17x243x243xf32>
    %reduce_max3A_98 = arith.constant dense<0xFF800000> : vector<17x243xf32>
    %reduce_max3A_99 = vector.multi_reduction <maximumf>, %select_n3A_97, %reduce_max3A_98 [1] : vector<17x243x243xf32> to vector<17x243xf32>
    %broadcast_in_dim3A_100 = vector.shape_cast %reduce_max3A_99 : vector<17x243xf32> to vector<17x1x243xf32>
    %ge3A_101 = vector.broadcast %broadcast_in_dim3A_100 : vector<17x1x243xf32> to vector<17x243x243xf32>
    %ge3A_102 = arith.cmpf oge, %select_n3A_97, %ge3A_101 : vector<17x243x243xf32>
    %jit3A_103 = arith.constant 0xFF800000 : f32
    %broadcast_in_dim3A_104 = vector.broadcast %jit3A_103 : f32 to vector<17x243x243xf32>
    %select_n3A_105 = arith.select %ge3A_102, %broadcast_in_dim3A_104, %select_n3A_97 : vector<17x243x243xi1>, vector<17x243x243xf32>
    %reduce_max3A_106 = arith.constant dense<0xFF800000> : vector<17x243xf32>
    %reduce_max3A_107 = vector.multi_reduction <maximumf>, %select_n3A_105, %reduce_max3A_106 [1] : vector<17x243x243xf32> to vector<17x243xf32>
    %broadcast_in_dim3A_108 = vector.shape_cast %reduce_max3A_107 : vector<17x243xf32> to vector<17x1x243xf32>
    %ge3A_109 = vector.broadcast %broadcast_in_dim3A_108 : vector<17x1x243xf32> to vector<17x243x243xf32>
    %ge3A_110 = arith.cmpf oge, %select_n3A_105, %ge3A_109 : vector<17x243x243xf32>
    %jit3A_111 = arith.constant 0xFF800000 : f32
    %broadcast_in_dim3A_112 = vector.broadcast %jit3A_111 : f32 to vector<17x243x243xf32>
    %select_n3A_113 = arith.select %ge3A_110, %broadcast_in_dim3A_112, %select_n3A_105 : vector<17x243x243xi1>, vector<17x243x243xf32>
    %reduce_max3A_114 = arith.constant dense<0xFF800000> : vector<17x243xf32>
    %reduce_max3A_115 = vector.multi_reduction <maximumf>, %select_n3A_113, %reduce_max3A_114 [1] : vector<17x243x243xf32> to vector<17x243xf32>
    %broadcast_in_dim3A_116 = vector.shape_cast %reduce_max3A_115 : vector<17x243xf32> to vector<17x1x243xf32>
    %ge3A_117 = vector.broadcast %broadcast_in_dim3A_116 : vector<17x1x243xf32> to vector<17x243x243xf32>
    %ge3A_118 = arith.cmpf oge, %select_n3A_113, %ge3A_117 : vector<17x243x243xf32>
    %jit3A_119 = arith.constant 0xFF800000 : f32
    %broadcast_in_dim3A_120 = vector.broadcast %jit3A_119 : f32 to vector<17x243x243xf32>
    %select_n3A_121 = arith.select %ge3A_118, %broadcast_in_dim3A_120, %select_n3A_113 : vector<17x243x243xi1>, vector<17x243x243xf32>
    %reduce_max3A_122 = arith.constant dense<0xFF800000> : vector<17x243xf32>
    %reduce_max3A_123 = vector.multi_reduction <maximumf>, %select_n3A_121, %reduce_max3A_122 [1] : vector<17x243x243xf32> to vector<17x243xf32>
    %broadcast_in_dim3A_124 = vector.shape_cast %reduce_max3A_123 : vector<17x243xf32> to vector<17x1x243xf32>
    %ge3A_125 = vector.broadcast %broadcast_in_dim3A_124 : vector<17x1x243xf32> to vector<17x243x243xf32>
    %ge3A_126 = arith.cmpf oge, %select_n3A_121, %ge3A_125 : vector<17x243x243xf32>
    %jit3A_127 = arith.constant 0xFF800000 : f32
    %broadcast_in_dim3A_128 = vector.broadcast %jit3A_127 : f32 to vector<17x243x243xf32>
    %select_n3A_129 = arith.select %ge3A_126, %broadcast_in_dim3A_128, %select_n3A_121 : vector<17x243x243xi1>, vector<17x243x243xf32>
    %reduce_max3A_130 = arith.constant dense<0xFF800000> : vector<17x243xf32>
    %reduce_max3A_131 = vector.multi_reduction <maximumf>, %select_n3A_129, %reduce_max3A_130 [1] : vector<17x243x243xf32> to vector<17x243xf32>
    %broadcast_in_dim3A_132 = vector.shape_cast %reduce_max3A_131 : vector<17x243xf32> to vector<17x1x243xf32>
    %ge3A_133 = vector.broadcast %broadcast_in_dim3A_132 : vector<17x1x243xf32> to vector<17x243x243xf32>
    %ge3A_134 = arith.cmpf oge, %select_n3A_129, %ge3A_133 : vector<17x243x243xf32>
    %jit3A_135 = arith.constant 0xFF800000 : f32
    %broadcast_in_dim3A_136 = vector.broadcast %jit3A_135 : f32 to vector<17x243x243xf32>
    %select_n3A_137 = arith.select %ge3A_134, %broadcast_in_dim3A_136, %select_n3A_129 : vector<17x243x243xi1>, vector<17x243x243xf32>
    %reduce_max3A_138 = arith.constant dense<0xFF800000> : vector<17x243xf32>
    %reduce_max3A_139 = vector.multi_reduction <maximumf>, %select_n3A_137, %reduce_max3A_138 [1] : vector<17x243x243xf32> to vector<17x243xf32>
    %broadcast_in_dim3A_140 = vector.shape_cast %reduce_max3A_139 : vector<17x243xf32> to vector<17x1x243xf32>
    %ge3A_141 = vector.broadcast %broadcast_in_dim3A_140 : vector<17x1x243xf32> to vector<17x243x243xf32>
    %ge3A_142 = arith.cmpf oge, %stack3A_86, %ge3A_141 : vector<17x243x243xf32>
    %convert_element_type3A = arith.extui %ge3A_142 : vector<17x243x243xi1> to vector<17x243x243xi32>
    %convert_element_type3A_143 = arith.sitofp %convert_element_type3A : vector<17x243x243xi32> to vector<17x243x243xf32>
    %reduce_sum3A = arith.constant dense<0.000000e+00> : vector<17x243xf32>
    %reduce_sum3A_144 = vector.multi_reduction <add>, %convert_element_type3A_143, %reduce_sum3A [1] : vector<17x243x243xf32> to vector<17x243xf32>
    %broadcast_in_dim3A_145 = vector.shape_cast %reduce_sum3A_144 : vector<17x243xf32> to vector<17x1x243xf32>
    %transpose3A = tpu.transpose %broadcast_in_dim3A_145, [0, 2, 1] : vector<17x1x243xf32> -> vector<17x243x1xf32>
    %rsqrt3A = math.rsqrt %transpose3A : vector<17x243x1xf32>
    %get3A_146 = arith.constant 0 : index
    %get3A_147 = arith.constant 0 : index
    %get3A_148 = vector.load %arg3[%get3A_146, %get3A_147] : memref<256x256xf32, #tpu.memory_space<vmem>>, vector<256x256xf32>
    %get3A_149 = arith.constant 0 : index
    %get3A_150 = arith.constant 0 : index
    %get3A_151 = vector.load %arg2[%get3A_149, %get3A_150] : memref<256x256xf32, #tpu.memory_space<vmem>>, vector<256x256xf32>
    %get3A_152 = arith.constant 0 : index
    %get3A_153 = arith.constant 0 : index
    %get3A_154 = vector.load %arg5[%get3A_152, %get3A_153] : memref<1x256xf32, #tpu.memory_space<vmem>>, vector<1x256xf32>
    %get3A_155 = arith.constant 0 : index
    %get3A_156 = arith.constant 0 : index
    %get3A_157 = vector.load %arg4[%get3A_155, %get3A_156] : memref<1x256xf32, #tpu.memory_space<vmem>>, vector<1x256xf32>
    %slice3A_158 = vector.extract_strided_slice %rsqrt3A {offsets = [0, 0, 0], sizes = [1, 243, 1], strides = [1, 1, 1]} : vector<17x243x1xf32> to vector<1x243x1xf32>
    %squeeze3A_159 = vector.shape_cast %slice3A_158 : vector<1x243x1xf32> to vector<243x1xf32>
    %dot_general3A_160 = arith.constant dense<0.000000e+00> : vector<243x256xf32>
    %dot_general3A_161 = tpu.matmul %squeeze3A, %get3A_148, %dot_general3A_160 {dimension_numbers = #tpu.dot_dimension_numbers<[1], [0], [0], [1], [0, 0, 1, 1], [], []>, transpose_lhs_hint = false} : vector<243x256xf32>, vector<256x256xf32>, vector<243x256xf32> -> vector<243x256xf32>
    %add3A = vector.broadcast %get3A_154 : vector<1x256xf32> to vector<243x256xf32>
    %add3A_162 = arith.addf %dot_general3A_161, %add3A : vector<243x256xf32>
    %slice3A_163 = vector.extract_strided_slice %convert_element_type3A_143 {offsets = [0, 0, 0], sizes = [1, 243, 243], strides = [1, 1, 1]} : vector<17x243x243xf32> to vector<1x243x243xf32>
    %squeeze3A_164 = vector.shape_cast %slice3A_163 : vector<1x243x243xf32> to vector<243x243xf32>
    %mul3A = vector.broadcast %squeeze3A_159 : vector<243x1xf32> to vector<243x256xf32>
    %mul3A_165 = arith.mulf %add3A_162, %mul3A : vector<243x256xf32>
    %dot_general3A_166 = arith.constant dense<0.000000e+00> : vector<243x256xf32>
    %dot_general3A_167 = tpu.matmul %squeeze3A_164, %mul3A_165, %dot_general3A_166 {dimension_numbers = #tpu.dot_dimension_numbers<[0], [0], [1], [1], [0, 1, 1, 1], [], []>, transpose_lhs_hint = false} : vector<243x243xf32>, vector<243x256xf32>, vector<243x256xf32> -> vector<243x256xf32>
    %mul3A_168 = vector.broadcast %squeeze3A_159 : vector<243x1xf32> to vector<243x256xf32>
    %mul3A_169 = arith.mulf %dot_general3A_167, %mul3A_168 : vector<243x256xf32>
    %dot_general3A_170 = arith.constant dense<0.000000e+00> : vector<243x256xf32>
    %dot_general3A_171 = tpu.matmul %squeeze3A, %get3A_151, %dot_general3A_170 {dimension_numbers = #tpu.dot_dimension_numbers<[1], [0], [0], [1], [0, 0, 1, 1], [], []>, transpose_lhs_hint = false} : vector<243x256xf32>, vector<256x256xf32>, vector<243x256xf32> -> vector<243x256xf32>
    %add3A_172 = vector.broadcast %get3A_157 : vector<1x256xf32> to vector<243x256xf32>
    %add3A_173 = arith.addf %dot_general3A_171, %add3A_172 : vector<243x256xf32>
    %add3A_174 = arith.addf %squeeze3A, %mul3A_169 : vector<243x256xf32>
    %add3A_175 = arith.addf %add3A_174, %add3A_173 : vector<243x256xf32>
    %max3A = arith.constant 0.000000e+00 : f32
    %max3A_176 = vector.broadcast %max3A : f32 to vector<243x256xf32>
    %max3A_177 = arith.maximumf %add3A_175, %max3A_176 : vector<243x256xf32>
    %slice3A_178 = vector.extract_strided_slice %rsqrt3A {offsets = [1, 0, 0], sizes = [1, 243, 1], strides = [1, 1, 1]} : vector<17x243x1xf32> to vector<1x243x1xf32>
    %squeeze3A_179 = vector.shape_cast %slice3A_178 : vector<1x243x1xf32> to vector<243x1xf32>
    %dot_general3A_180 = arith.constant dense<0.000000e+00> : vector<243x256xf32>
    %dot_general3A_181 = tpu.matmul %squeeze3A_6, %get3A_148, %dot_general3A_180 {dimension_numbers = #tpu.dot_dimension_numbers<[1], [0], [0], [1], [0, 0, 1, 1], [], []>, transpose_lhs_hint = false} : vector<243x256xf32>, vector<256x256xf32>, vector<243x256xf32> -> vector<243x256xf32>
    %add3A_182 = vector.broadcast %get3A_154 : vector<1x256xf32> to vector<243x256xf32>
    %add3A_183 = arith.addf %dot_general3A_181, %add3A_182 : vector<243x256xf32>
    %slice3A_184 = vector.extract_strided_slice %convert_element_type3A_143 {offsets = [1, 0, 0], sizes = [1, 243, 243], strides = [1, 1, 1]} : vector<17x243x243xf32> to vector<1x243x243xf32>
    %squeeze3A_185 = vector.shape_cast %slice3A_184 : vector<1x243x243xf32> to vector<243x243xf32>
    %mul3A_186 = vector.broadcast %squeeze3A_179 : vector<243x1xf32> to vector<243x256xf32>
    %mul3A_187 = arith.mulf %add3A_183, %mul3A_186 : vector<243x256xf32>
    %dot_general3A_188 = arith.constant dense<0.000000e+00> : vector<243x256xf32>
    %dot_general3A_189 = tpu.matmul %squeeze3A_185, %mul3A_187, %dot_general3A_188 {dimension_numbers = #tpu.dot_dimension_numbers<[0], [0], [1], [1], [0, 1, 1, 1], [], []>, transpose_lhs_hint = false} : vector<243x243xf32>, vector<243x256xf32>, vector<243x256xf32> -> vector<243x256xf32>
    %mul3A_190 = vector.broadcast %squeeze3A_179 : vector<243x1xf32> to vector<243x256xf32>
    %mul3A_191 = arith.mulf %dot_general3A_189, %mul3A_190 : vector<243x256xf32>
    %dot_general3A_192 = arith.constant dense<0.000000e+00> : vector<243x256xf32>
    %dot_general3A_193 = tpu.matmul %squeeze3A_6, %get3A_151, %dot_general3A_192 {dimension_numbers = #tpu.dot_dimension_numbers<[1], [0], [0], [1], [0, 0, 1, 1], [], []>, transpose_lhs_hint = false} : vector<243x256xf32>, vector<256x256xf32>, vector<243x256xf32> -> vector<243x256xf32>
    %add3A_194 = vector.broadcast %get3A_157 : vector<1x256xf32> to vector<243x256xf32>
    %add3A_195 = arith.addf %dot_general3A_193, %add3A_194 : vector<243x256xf32>
    %add3A_196 = arith.addf %squeeze3A_6, %mul3A_191 : vector<243x256xf32>
    %add3A_197 = arith.addf %add3A_196, %add3A_195 : vector<243x256xf32>
    %max3A_198 = arith.constant 0.000000e+00 : f32
    %max3A_199 = vector.broadcast %max3A_198 : f32 to vector<243x256xf32>
    %max3A_200 = arith.maximumf %add3A_197, %max3A_199 : vector<243x256xf32>
    %slice3A_201 = vector.extract_strided_slice %rsqrt3A {offsets = [2, 0, 0], sizes = [1, 243, 1], strides = [1, 1, 1]} : vector<17x243x1xf32> to vector<1x243x1xf32>
    %squeeze3A_202 = vector.shape_cast %slice3A_201 : vector<1x243x1xf32> to vector<243x1xf32>
    %dot_general3A_203 = arith.constant dense<0.000000e+00> : vector<243x256xf32>
    %dot_general3A_204 = tpu.matmul %squeeze3A_8, %get3A_148, %dot_general3A_203 {dimension_numbers = #tpu.dot_dimension_numbers<[1], [0], [0], [1], [0, 0, 1, 1], [], []>, transpose_lhs_hint = false} : vector<243x256xf32>, vector<256x256xf32>, vector<243x256xf32> -> vector<243x256xf32>
    %add3A_205 = vector.broadcast %get3A_154 : vector<1x256xf32> to vector<243x256xf32>
    %add3A_206 = arith.addf %dot_general3A_204, %add3A_205 : vector<243x256xf32>
    %slice3A_207 = vector.extract_strided_slice %convert_element_type3A_143 {offsets = [2, 0, 0], sizes = [1, 243, 243], strides = [1, 1, 1]} : vector<17x243x243xf32> to vector<1x243x243xf32>
    %squeeze3A_208 = vector.shape_cast %slice3A_207 : vector<1x243x243xf32> to vector<243x243xf32>
    %mul3A_209 = vector.broadcast %squeeze3A_202 : vector<243x1xf32> to vector<243x256xf32>
    %mul3A_210 = arith.mulf %add3A_206, %mul3A_209 : vector<243x256xf32>
    %dot_general3A_211 = arith.constant dense<0.000000e+00> : vector<243x256xf32>
    %dot_general3A_212 = tpu.matmul %squeeze3A_208, %mul3A_210, %dot_general3A_211 {dimension_numbers = #tpu.dot_dimension_numbers<[0], [0], [1], [1], [0, 1, 1, 1], [], []>, transpose_lhs_hint = false} : vector<243x243xf32>, vector<243x256xf32>, vector<243x256xf32> -> vector<243x256xf32>
    %mul3A_213 = vector.broadcast %squeeze3A_202 : vector<243x1xf32> to vector<243x256xf32>
    %mul3A_214 = arith.mulf %dot_general3A_212, %mul3A_213 : vector<243x256xf32>
    %dot_general3A_215 = arith.constant dense<0.000000e+00> : vector<243x256xf32>
    %dot_general3A_216 = tpu.matmul %squeeze3A_8, %get3A_151, %dot_general3A_215 {dimension_numbers = #tpu.dot_dimension_numbers<[1], [0], [0], [1], [0, 0, 1, 1], [], []>, transpose_lhs_hint = false} : vector<243x256xf32>, vector<256x256xf32>, vector<243x256xf32> -> vector<243x256xf32>
    %add3A_217 = vector.broadcast %get3A_157 : vector<1x256xf32> to vector<243x256xf32>
    %add3A_218 = arith.addf %dot_general3A_216, %add3A_217 : vector<243x256xf32>
    %add3A_219 = arith.addf %squeeze3A_8, %mul3A_214 : vector<243x256xf32>
    %add3A_220 = arith.addf %add3A_219, %add3A_218 : vector<243x256xf32>
    %max3A_221 = arith.constant 0.000000e+00 : f32
    %max3A_222 = vector.broadcast %max3A_221 : f32 to vector<243x256xf32>
    %max3A_223 = arith.maximumf %add3A_220, %max3A_222 : vector<243x256xf32>
    %slice3A_224 = vector.extract_strided_slice %rsqrt3A {offsets = [3, 0, 0], sizes = [1, 243, 1], strides = [1, 1, 1]} : vector<17x243x1xf32> to vector<1x243x1xf32>
    %squeeze3A_225 = vector.shape_cast %slice3A_224 : vector<1x243x1xf32> to vector<243x1xf32>
    %dot_general3A_226 = arith.constant dense<0.000000e+00> : vector<243x256xf32>
    %dot_general3A_227 = tpu.matmul %squeeze3A_10, %get3A_148, %dot_general3A_226 {dimension_numbers = #tpu.dot_dimension_numbers<[1], [0], [0], [1], [0, 0, 1, 1], [], []>, transpose_lhs_hint = false} : vector<243x256xf32>, vector<256x256xf32>, vector<243x256xf32> -> vector<243x256xf32>
    %add3A_228 = vector.broadcast %get3A_154 : vector<1x256xf32> to vector<243x256xf32>
    %add3A_229 = arith.addf %dot_general3A_227, %add3A_228 : vector<243x256xf32>
    %slice3A_230 = vector.extract_strided_slice %convert_element_type3A_143 {offsets = [3, 0, 0], sizes = [1, 243, 243], strides = [1, 1, 1]} : vector<17x243x243xf32> to vector<1x243x243xf32>
    %squeeze3A_231 = vector.shape_cast %slice3A_230 : vector<1x243x243xf32> to vector<243x243xf32>
    %mul3A_232 = vector.broadcast %squeeze3A_225 : vector<243x1xf32> to vector<243x256xf32>
    %mul3A_233 = arith.mulf %add3A_229, %mul3A_232 : vector<243x256xf32>
    %dot_general3A_234 = arith.constant dense<0.000000e+00> : vector<243x256xf32>
    %dot_general3A_235 = tpu.matmul %squeeze3A_231, %mul3A_233, %dot_general3A_234 {dimension_numbers = #tpu.dot_dimension_numbers<[0], [0], [1], [1], [0, 1, 1, 1], [], []>, transpose_lhs_hint = false} : vector<243x243xf32>, vector<243x256xf32>, vector<243x256xf32> -> vector<243x256xf32>
    %mul3A_236 = vector.broadcast %squeeze3A_225 : vector<243x1xf32> to vector<243x256xf32>
    %mul3A_237 = arith.mulf %dot_general3A_235, %mul3A_236 : vector<243x256xf32>
    %dot_general3A_238 = arith.constant dense<0.000000e+00> : vector<243x256xf32>
    %dot_general3A_239 = tpu.matmul %squeeze3A_10, %get3A_151, %dot_general3A_238 {dimension_numbers = #tpu.dot_dimension_numbers<[1], [0], [0], [1], [0, 0, 1, 1], [], []>, transpose_lhs_hint = false} : vector<243x256xf32>, vector<256x256xf32>, vector<243x256xf32> -> vector<243x256xf32>
    %add3A_240 = vector.broadcast %get3A_157 : vector<1x256xf32> to vector<243x256xf32>
    %add3A_241 = arith.addf %dot_general3A_239, %add3A_240 : vector<243x256xf32>
    %add3A_242 = arith.addf %squeeze3A_10, %mul3A_237 : vector<243x256xf32>
    %add3A_243 = arith.addf %add3A_242, %add3A_241 : vector<243x256xf32>
    %max3A_244 = arith.constant 0.000000e+00 : f32
    %max3A_245 = vector.broadcast %max3A_244 : f32 to vector<243x256xf32>
    %max3A_246 = arith.maximumf %add3A_243, %max3A_245 : vector<243x256xf32>
    %slice3A_247 = vector.extract_strided_slice %rsqrt3A {offsets = [4, 0, 0], sizes = [1, 243, 1], strides = [1, 1, 1]} : vector<17x243x1xf32> to vector<1x243x1xf32>
    %squeeze3A_248 = vector.shape_cast %slice3A_247 : vector<1x243x1xf32> to vector<243x1xf32>
    %dot_general3A_249 = arith.constant dense<0.000000e+00> : vector<243x256xf32>
    %dot_general3A_250 = tpu.matmul %squeeze3A_12, %get3A_148, %dot_general3A_249 {dimension_numbers = #tpu.dot_dimension_numbers<[1], [0], [0], [1], [0, 0, 1, 1], [], []>, transpose_lhs_hint = false} : vector<243x256xf32>, vector<256x256xf32>, vector<243x256xf32> -> vector<243x256xf32>
    %add3A_251 = vector.broadcast %get3A_154 : vector<1x256xf32> to vector<243x256xf32>
    %add3A_252 = arith.addf %dot_general3A_250, %add3A_251 : vector<243x256xf32>
    %slice3A_253 = vector.extract_strided_slice %convert_element_type3A_143 {offsets = [4, 0, 0], sizes = [1, 243, 243], strides = [1, 1, 1]} : vector<17x243x243xf32> to vector<1x243x243xf32>
    %squeeze3A_254 = vector.shape_cast %slice3A_253 : vector<1x243x243xf32> to vector<243x243xf32>
    %mul3A_255 = vector.broadcast %squeeze3A_248 : vector<243x1xf32> to vector<243x256xf32>
    %mul3A_256 = arith.mulf %add3A_252, %mul3A_255 : vector<243x256xf32>
    %dot_general3A_257 = arith.constant dense<0.000000e+00> : vector<243x256xf32>
    %dot_general3A_258 = tpu.matmul %squeeze3A_254, %mul3A_256, %dot_general3A_257 {dimension_numbers = #tpu.dot_dimension_numbers<[0], [0], [1], [1], [0, 1, 1, 1], [], []>, transpose_lhs_hint = false} : vector<243x243xf32>, vector<243x256xf32>, vector<243x256xf32> -> vector<243x256xf32>
    %mul3A_259 = vector.broadcast %squeeze3A_248 : vector<243x1xf32> to vector<243x256xf32>
    %mul3A_260 = arith.mulf %dot_general3A_258, %mul3A_259 : vector<243x256xf32>
    %dot_general3A_261 = arith.constant dense<0.000000e+00> : vector<243x256xf32>
    %dot_general3A_262 = tpu.matmul %squeeze3A_12, %get3A_151, %dot_general3A_261 {dimension_numbers = #tpu.dot_dimension_numbers<[1], [0], [0], [1], [0, 0, 1, 1], [], []>, transpose_lhs_hint = false} : vector<243x256xf32>, vector<256x256xf32>, vector<243x256xf32> -> vector<243x256xf32>
    %add3A_263 = vector.broadcast %get3A_157 : vector<1x256xf32> to vector<243x256xf32>
    %add3A_264 = arith.addf %dot_general3A_262, %add3A_263 : vector<243x256xf32>
    %add3A_265 = arith.addf %squeeze3A_12, %mul3A_260 : vector<243x256xf32>
    %add3A_266 = arith.addf %add3A_265, %add3A_264 : vector<243x256xf32>
    %max3A_267 = arith.constant 0.000000e+00 : f32
    %max3A_268 = vector.broadcast %max3A_267 : f32 to vector<243x256xf32>
    %max3A_269 = arith.maximumf %add3A_266, %max3A_268 : vector<243x256xf32>
    %slice3A_270 = vector.extract_strided_slice %rsqrt3A {offsets = [5, 0, 0], sizes = [1, 243, 1], strides = [1, 1, 1]} : vector<17x243x1xf32> to vector<1x243x1xf32>
    %squeeze3A_271 = vector.shape_cast %slice3A_270 : vector<1x243x1xf32> to vector<243x1xf32>
    %dot_general3A_272 = arith.constant dense<0.000000e+00> : vector<243x256xf32>
    %dot_general3A_273 = tpu.matmul %squeeze3A_14, %get3A_148, %dot_general3A_272 {dimension_numbers = #tpu.dot_dimension_numbers<[1], [0], [0], [1], [0, 0, 1, 1], [], []>, transpose_lhs_hint = false} : vector<243x256xf32>, vector<256x256xf32>, vector<243x256xf32> -> vector<243x256xf32>
    %add3A_274 = vector.broadcast %get3A_154 : vector<1x256xf32> to vector<243x256xf32>
    %add3A_275 = arith.addf %dot_general3A_273, %add3A_274 : vector<243x256xf32>
    %slice3A_276 = vector.extract_strided_slice %convert_element_type3A_143 {offsets = [5, 0, 0], sizes = [1, 243, 243], strides = [1, 1, 1]} : vector<17x243x243xf32> to vector<1x243x243xf32>
    %squeeze3A_277 = vector.shape_cast %slice3A_276 : vector<1x243x243xf32> to vector<243x243xf32>
    %mul3A_278 = vector.broadcast %squeeze3A_271 : vector<243x1xf32> to vector<243x256xf32>
    %mul3A_279 = arith.mulf %add3A_275, %mul3A_278 : vector<243x256xf32>
    %dot_general3A_280 = arith.constant dense<0.000000e+00> : vector<243x256xf32>
    %dot_general3A_281 = tpu.matmul %squeeze3A_277, %mul3A_279, %dot_general3A_280 {dimension_numbers = #tpu.dot_dimension_numbers<[0], [0], [1], [1], [0, 1, 1, 1], [], []>, transpose_lhs_hint = false} : vector<243x243xf32>, vector<243x256xf32>, vector<243x256xf32> -> vector<243x256xf32>
    %mul3A_282 = vector.broadcast %squeeze3A_271 : vector<243x1xf32> to vector<243x256xf32>
    %mul3A_283 = arith.mulf %dot_general3A_281, %mul3A_282 : vector<243x256xf32>
    %dot_general3A_284 = arith.constant dense<0.000000e+00> : vector<243x256xf32>
    %dot_general3A_285 = tpu.matmul %squeeze3A_14, %get3A_151, %dot_general3A_284 {dimension_numbers = #tpu.dot_dimension_numbers<[1], [0], [0], [1], [0, 0, 1, 1], [], []>, transpose_lhs_hint = false} : vector<243x256xf32>, vector<256x256xf32>, vector<243x256xf32> -> vector<243x256xf32>
    %add3A_286 = vector.broadcast %get3A_157 : vector<1x256xf32> to vector<243x256xf32>
    %add3A_287 = arith.addf %dot_general3A_285, %add3A_286 : vector<243x256xf32>
    %add3A_288 = arith.addf %squeeze3A_14, %mul3A_283 : vector<243x256xf32>
    %add3A_289 = arith.addf %add3A_288, %add3A_287 : vector<243x256xf32>
    %max3A_290 = arith.constant 0.000000e+00 : f32
    %max3A_291 = vector.broadcast %max3A_290 : f32 to vector<243x256xf32>
    %max3A_292 = arith.maximumf %add3A_289, %max3A_291 : vector<243x256xf32>
    %slice3A_293 = vector.extract_strided_slice %rsqrt3A {offsets = [6, 0, 0], sizes = [1, 243, 1], strides = [1, 1, 1]} : vector<17x243x1xf32> to vector<1x243x1xf32>
    %squeeze3A_294 = vector.shape_cast %slice3A_293 : vector<1x243x1xf32> to vector<243x1xf32>
    %dot_general3A_295 = arith.constant dense<0.000000e+00> : vector<243x256xf32>
    %dot_general3A_296 = tpu.matmul %squeeze3A_16, %get3A_148, %dot_general3A_295 {dimension_numbers = #tpu.dot_dimension_numbers<[1], [0], [0], [1], [0, 0, 1, 1], [], []>, transpose_lhs_hint = false} : vector<243x256xf32>, vector<256x256xf32>, vector<243x256xf32> -> vector<243x256xf32>
    %add3A_297 = vector.broadcast %get3A_154 : vector<1x256xf32> to vector<243x256xf32>
    %add3A_298 = arith.addf %dot_general3A_296, %add3A_297 : vector<243x256xf32>
    %slice3A_299 = vector.extract_strided_slice %convert_element_type3A_143 {offsets = [6, 0, 0], sizes = [1, 243, 243], strides = [1, 1, 1]} : vector<17x243x243xf32> to vector<1x243x243xf32>
    %squeeze3A_300 = vector.shape_cast %slice3A_299 : vector<1x243x243xf32> to vector<243x243xf32>
    %mul3A_301 = vector.broadcast %squeeze3A_294 : vector<243x1xf32> to vector<243x256xf32>
    %mul3A_302 = arith.mulf %add3A_298, %mul3A_301 : vector<243x256xf32>
    %dot_general3A_303 = arith.constant dense<0.000000e+00> : vector<243x256xf32>
    %dot_general3A_304 = tpu.matmul %squeeze3A_300, %mul3A_302, %dot_general3A_303 {dimension_numbers = #tpu.dot_dimension_numbers<[0], [0], [1], [1], [0, 1, 1, 1], [], []>, transpose_lhs_hint = false} : vector<243x243xf32>, vector<243x256xf32>, vector<243x256xf32> -> vector<243x256xf32>
    %mul3A_305 = vector.broadcast %squeeze3A_294 : vector<243x1xf32> to vector<243x256xf32>
    %mul3A_306 = arith.mulf %dot_general3A_304, %mul3A_305 : vector<243x256xf32>
    %dot_general3A_307 = arith.constant dense<0.000000e+00> : vector<243x256xf32>
    %dot_general3A_308 = tpu.matmul %squeeze3A_16, %get3A_151, %dot_general3A_307 {dimension_numbers = #tpu.dot_dimension_numbers<[1], [0], [0], [1], [0, 0, 1, 1], [], []>, transpose_lhs_hint = false} : vector<243x256xf32>, vector<256x256xf32>, vector<243x256xf32> -> vector<243x256xf32>
    %add3A_309 = vector.broadcast %get3A_157 : vector<1x256xf32> to vector<243x256xf32>
    %add3A_310 = arith.addf %dot_general3A_308, %add3A_309 : vector<243x256xf32>
    %add3A_311 = arith.addf %squeeze3A_16, %mul3A_306 : vector<243x256xf32>
    %add3A_312 = arith.addf %add3A_311, %add3A_310 : vector<243x256xf32>
    %max3A_313 = arith.constant 0.000000e+00 : f32
    %max3A_314 = vector.broadcast %max3A_313 : f32 to vector<243x256xf32>
    %max3A_315 = arith.maximumf %add3A_312, %max3A_314 : vector<243x256xf32>
    %slice3A_316 = vector.extract_strided_slice %rsqrt3A {offsets = [7, 0, 0], sizes = [1, 243, 1], strides = [1, 1, 1]} : vector<17x243x1xf32> to vector<1x243x1xf32>
    %squeeze3A_317 = vector.shape_cast %slice3A_316 : vector<1x243x1xf32> to vector<243x1xf32>
    %dot_general3A_318 = arith.constant dense<0.000000e+00> : vector<243x256xf32>
    %dot_general3A_319 = tpu.matmul %squeeze3A_18, %get3A_148, %dot_general3A_318 {dimension_numbers = #tpu.dot_dimension_numbers<[1], [0], [0], [1], [0, 0, 1, 1], [], []>, transpose_lhs_hint = false} : vector<243x256xf32>, vector<256x256xf32>, vector<243x256xf32> -> vector<243x256xf32>
    %add3A_320 = vector.broadcast %get3A_154 : vector<1x256xf32> to vector<243x256xf32>
    %add3A_321 = arith.addf %dot_general3A_319, %add3A_320 : vector<243x256xf32>
    %slice3A_322 = vector.extract_strided_slice %convert_element_type3A_143 {offsets = [7, 0, 0], sizes = [1, 243, 243], strides = [1, 1, 1]} : vector<17x243x243xf32> to vector<1x243x243xf32>
    %squeeze3A_323 = vector.shape_cast %slice3A_322 : vector<1x243x243xf32> to vector<243x243xf32>
    %mul3A_324 = vector.broadcast %squeeze3A_317 : vector<243x1xf32> to vector<243x256xf32>
    %mul3A_325 = arith.mulf %add3A_321, %mul3A_324 : vector<243x256xf32>
    %dot_general3A_326 = arith.constant dense<0.000000e+00> : vector<243x256xf32>
    %dot_general3A_327 = tpu.matmul %squeeze3A_323, %mul3A_325, %dot_general3A_326 {dimension_numbers = #tpu.dot_dimension_numbers<[0], [0], [1], [1], [0, 1, 1, 1], [], []>, transpose_lhs_hint = false} : vector<243x243xf32>, vector<243x256xf32>, vector<243x256xf32> -> vector<243x256xf32>
    %mul3A_328 = vector.broadcast %squeeze3A_317 : vector<243x1xf32> to vector<243x256xf32>
    %mul3A_329 = arith.mulf %dot_general3A_327, %mul3A_328 : vector<243x256xf32>
    %dot_general3A_330 = arith.constant dense<0.000000e+00> : vector<243x256xf32>
    %dot_general3A_331 = tpu.matmul %squeeze3A_18, %get3A_151, %dot_general3A_330 {dimension_numbers = #tpu.dot_dimension_numbers<[1], [0], [0], [1], [0, 0, 1, 1], [], []>, transpose_lhs_hint = false} : vector<243x256xf32>, vector<256x256xf32>, vector<243x256xf32> -> vector<243x256xf32>
    %add3A_332 = vector.broadcast %get3A_157 : vector<1x256xf32> to vector<243x256xf32>
    %add3A_333 = arith.addf %dot_general3A_331, %add3A_332 : vector<243x256xf32>
    %add3A_334 = arith.addf %squeeze3A_18, %mul3A_329 : vector<243x256xf32>
    %add3A_335 = arith.addf %add3A_334, %add3A_333 : vector<243x256xf32>
    %max3A_336 = arith.constant 0.000000e+00 : f32
    %max3A_337 = vector.broadcast %max3A_336 : f32 to vector<243x256xf32>
    %max3A_338 = arith.maximumf %add3A_335, %max3A_337 : vector<243x256xf32>
    %slice3A_339 = vector.extract_strided_slice %rsqrt3A {offsets = [8, 0, 0], sizes = [1, 243, 1], strides = [1, 1, 1]} : vector<17x243x1xf32> to vector<1x243x1xf32>
    %squeeze3A_340 = vector.shape_cast %slice3A_339 : vector<1x243x1xf32> to vector<243x1xf32>
    %dot_general3A_341 = arith.constant dense<0.000000e+00> : vector<243x256xf32>
    %dot_general3A_342 = tpu.matmul %squeeze3A_20, %get3A_148, %dot_general3A_341 {dimension_numbers = #tpu.dot_dimension_numbers<[1], [0], [0], [1], [0, 0, 1, 1], [], []>, transpose_lhs_hint = false} : vector<243x256xf32>, vector<256x256xf32>, vector<243x256xf32> -> vector<243x256xf32>
    %add3A_343 = vector.broadcast %get3A_154 : vector<1x256xf32> to vector<243x256xf32>
    %add3A_344 = arith.addf %dot_general3A_342, %add3A_343 : vector<243x256xf32>
    %slice3A_345 = vector.extract_strided_slice %convert_element_type3A_143 {offsets = [8, 0, 0], sizes = [1, 243, 243], strides = [1, 1, 1]} : vector<17x243x243xf32> to vector<1x243x243xf32>
    %squeeze3A_346 = vector.shape_cast %slice3A_345 : vector<1x243x243xf32> to vector<243x243xf32>
    %mul3A_347 = vector.broadcast %squeeze3A_340 : vector<243x1xf32> to vector<243x256xf32>
    %mul3A_348 = arith.mulf %add3A_344, %mul3A_347 : vector<243x256xf32>
    %dot_general3A_349 = arith.constant dense<0.000000e+00> : vector<243x256xf32>
    %dot_general3A_350 = tpu.matmul %squeeze3A_346, %mul3A_348, %dot_general3A_349 {dimension_numbers = #tpu.dot_dimension_numbers<[0], [0], [1], [1], [0, 1, 1, 1], [], []>, transpose_lhs_hint = false} : vector<243x243xf32>, vector<243x256xf32>, vector<243x256xf32> -> vector<243x256xf32>
    %mul3A_351 = vector.broadcast %squeeze3A_340 : vector<243x1xf32> to vector<243x256xf32>
    %mul3A_352 = arith.mulf %dot_general3A_350, %mul3A_351 : vector<243x256xf32>
    %dot_general3A_353 = arith.constant dense<0.000000e+00> : vector<243x256xf32>
    %dot_general3A_354 = tpu.matmul %squeeze3A_20, %get3A_151, %dot_general3A_353 {dimension_numbers = #tpu.dot_dimension_numbers<[1], [0], [0], [1], [0, 0, 1, 1], [], []>, transpose_lhs_hint = false} : vector<243x256xf32>, vector<256x256xf32>, vector<243x256xf32> -> vector<243x256xf32>
    %add3A_355 = vector.broadcast %get3A_157 : vector<1x256xf32> to vector<243x256xf32>
    %add3A_356 = arith.addf %dot_general3A_354, %add3A_355 : vector<243x256xf32>
    %add3A_357 = arith.addf %squeeze3A_20, %mul3A_352 : vector<243x256xf32>
    %add3A_358 = arith.addf %add3A_357, %add3A_356 : vector<243x256xf32>
    %max3A_359 = arith.constant 0.000000e+00 : f32
    %max3A_360 = vector.broadcast %max3A_359 : f32 to vector<243x256xf32>
    %max3A_361 = arith.maximumf %add3A_358, %max3A_360 : vector<243x256xf32>
    %slice3A_362 = vector.extract_strided_slice %rsqrt3A {offsets = [9, 0, 0], sizes = [1, 243, 1], strides = [1, 1, 1]} : vector<17x243x1xf32> to vector<1x243x1xf32>
    %squeeze3A_363 = vector.shape_cast %slice3A_362 : vector<1x243x1xf32> to vector<243x1xf32>
    %dot_general3A_364 = arith.constant dense<0.000000e+00> : vector<243x256xf32>
    %dot_general3A_365 = tpu.matmul %squeeze3A_22, %get3A_148, %dot_general3A_364 {dimension_numbers = #tpu.dot_dimension_numbers<[1], [0], [0], [1], [0, 0, 1, 1], [], []>, transpose_lhs_hint = false} : vector<243x256xf32>, vector<256x256xf32>, vector<243x256xf32> -> vector<243x256xf32>
    %add3A_366 = vector.broadcast %get3A_154 : vector<1x256xf32> to vector<243x256xf32>
    %add3A_367 = arith.addf %dot_general3A_365, %add3A_366 : vector<243x256xf32>
    %slice3A_368 = vector.extract_strided_slice %convert_element_type3A_143 {offsets = [9, 0, 0], sizes = [1, 243, 243], strides = [1, 1, 1]} : vector<17x243x243xf32> to vector<1x243x243xf32>
    %squeeze3A_369 = vector.shape_cast %slice3A_368 : vector<1x243x243xf32> to vector<243x243xf32>
    %mul3A_370 = vector.broadcast %squeeze3A_363 : vector<243x1xf32> to vector<243x256xf32>
    %mul3A_371 = arith.mulf %add3A_367, %mul3A_370 : vector<243x256xf32>
    %dot_general3A_372 = arith.constant dense<0.000000e+00> : vector<243x256xf32>
    %dot_general3A_373 = tpu.matmul %squeeze3A_369, %mul3A_371, %dot_general3A_372 {dimension_numbers = #tpu.dot_dimension_numbers<[0], [0], [1], [1], [0, 1, 1, 1], [], []>, transpose_lhs_hint = false} : vector<243x243xf32>, vector<243x256xf32>, vector<243x256xf32> -> vector<243x256xf32>
    %mul3A_374 = vector.broadcast %squeeze3A_363 : vector<243x1xf32> to vector<243x256xf32>
    %mul3A_375 = arith.mulf %dot_general3A_373, %mul3A_374 : vector<243x256xf32>
    %dot_general3A_376 = arith.constant dense<0.000000e+00> : vector<243x256xf32>
    %dot_general3A_377 = tpu.matmul %squeeze3A_22, %get3A_151, %dot_general3A_376 {dimension_numbers = #tpu.dot_dimension_numbers<[1], [0], [0], [1], [0, 0, 1, 1], [], []>, transpose_lhs_hint = false} : vector<243x256xf32>, vector<256x256xf32>, vector<243x256xf32> -> vector<243x256xf32>
    %add3A_378 = vector.broadcast %get3A_157 : vector<1x256xf32> to vector<243x256xf32>
    %add3A_379 = arith.addf %dot_general3A_377, %add3A_378 : vector<243x256xf32>
    %add3A_380 = arith.addf %squeeze3A_22, %mul3A_375 : vector<243x256xf32>
    %add3A_381 = arith.addf %add3A_380, %add3A_379 : vector<243x256xf32>
    %max3A_382 = arith.constant 0.000000e+00 : f32
    %max3A_383 = vector.broadcast %max3A_382 : f32 to vector<243x256xf32>
    %max3A_384 = arith.maximumf %add3A_381, %max3A_383 : vector<243x256xf32>
    %slice3A_385 = vector.extract_strided_slice %rsqrt3A {offsets = [10, 0, 0], sizes = [1, 243, 1], strides = [1, 1, 1]} : vector<17x243x1xf32> to vector<1x243x1xf32>
    %squeeze3A_386 = vector.shape_cast %slice3A_385 : vector<1x243x1xf32> to vector<243x1xf32>
    %dot_general3A_387 = arith.constant dense<0.000000e+00> : vector<243x256xf32>
    %dot_general3A_388 = tpu.matmul %squeeze3A_24, %get3A_148, %dot_general3A_387 {dimension_numbers = #tpu.dot_dimension_numbers<[1], [0], [0], [1], [0, 0, 1, 1], [], []>, transpose_lhs_hint = false} : vector<243x256xf32>, vector<256x256xf32>, vector<243x256xf32> -> vector<243x256xf32>
    %add3A_389 = vector.broadcast %get3A_154 : vector<1x256xf32> to vector<243x256xf32>
    %add3A_390 = arith.addf %dot_general3A_388, %add3A_389 : vector<243x256xf32>
    %slice3A_391 = vector.extract_strided_slice %convert_element_type3A_143 {offsets = [10, 0, 0], sizes = [1, 243, 243], strides = [1, 1, 1]} : vector<17x243x243xf32> to vector<1x243x243xf32>
    %squeeze3A_392 = vector.shape_cast %slice3A_391 : vector<1x243x243xf32> to vector<243x243xf32>
    %mul3A_393 = vector.broadcast %squeeze3A_386 : vector<243x1xf32> to vector<243x256xf32>
    %mul3A_394 = arith.mulf %add3A_390, %mul3A_393 : vector<243x256xf32>
    %dot_general3A_395 = arith.constant dense<0.000000e+00> : vector<243x256xf32>
    %dot_general3A_396 = tpu.matmul %squeeze3A_392, %mul3A_394, %dot_general3A_395 {dimension_numbers = #tpu.dot_dimension_numbers<[0], [0], [1], [1], [0, 1, 1, 1], [], []>, transpose_lhs_hint = false} : vector<243x243xf32>, vector<243x256xf32>, vector<243x256xf32> -> vector<243x256xf32>
    %mul3A_397 = vector.broadcast %squeeze3A_386 : vector<243x1xf32> to vector<243x256xf32>
    %mul3A_398 = arith.mulf %dot_general3A_396, %mul3A_397 : vector<243x256xf32>
    %dot_general3A_399 = arith.constant dense<0.000000e+00> : vector<243x256xf32>
    %dot_general3A_400 = tpu.matmul %squeeze3A_24, %get3A_151, %dot_general3A_399 {dimension_numbers = #tpu.dot_dimension_numbers<[1], [0], [0], [1], [0, 0, 1, 1], [], []>, transpose_lhs_hint = false} : vector<243x256xf32>, vector<256x256xf32>, vector<243x256xf32> -> vector<243x256xf32>
    %add3A_401 = vector.broadcast %get3A_157 : vector<1x256xf32> to vector<243x256xf32>
    %add3A_402 = arith.addf %dot_general3A_400, %add3A_401 : vector<243x256xf32>
    %add3A_403 = arith.addf %squeeze3A_24, %mul3A_398 : vector<243x256xf32>
    %add3A_404 = arith.addf %add3A_403, %add3A_402 : vector<243x256xf32>
    %max3A_405 = arith.constant 0.000000e+00 : f32
    %max3A_406 = vector.broadcast %max3A_405 : f32 to vector<243x256xf32>
    %max3A_407 = arith.maximumf %add3A_404, %max3A_406 : vector<243x256xf32>
    %slice3A_408 = vector.extract_strided_slice %rsqrt3A {offsets = [11, 0, 0], sizes = [1, 243, 1], strides = [1, 1, 1]} : vector<17x243x1xf32> to vector<1x243x1xf32>
    %squeeze3A_409 = vector.shape_cast %slice3A_408 : vector<1x243x1xf32> to vector<243x1xf32>
    %dot_general3A_410 = arith.constant dense<0.000000e+00> : vector<243x256xf32>
    %dot_general3A_411 = tpu.matmul %squeeze3A_26, %get3A_148, %dot_general3A_410 {dimension_numbers = #tpu.dot_dimension_numbers<[1], [0], [0], [1], [0, 0, 1, 1], [], []>, transpose_lhs_hint = false} : vector<243x256xf32>, vector<256x256xf32>, vector<243x256xf32> -> vector<243x256xf32>
    %add3A_412 = vector.broadcast %get3A_154 : vector<1x256xf32> to vector<243x256xf32>
    %add3A_413 = arith.addf %dot_general3A_411, %add3A_412 : vector<243x256xf32>
    %slice3A_414 = vector.extract_strided_slice %convert_element_type3A_143 {offsets = [11, 0, 0], sizes = [1, 243, 243], strides = [1, 1, 1]} : vector<17x243x243xf32> to vector<1x243x243xf32>
    %squeeze3A_415 = vector.shape_cast %slice3A_414 : vector<1x243x243xf32> to vector<243x243xf32>
    %mul3A_416 = vector.broadcast %squeeze3A_409 : vector<243x1xf32> to vector<243x256xf32>
    %mul3A_417 = arith.mulf %add3A_413, %mul3A_416 : vector<243x256xf32>
    %dot_general3A_418 = arith.constant dense<0.000000e+00> : vector<243x256xf32>
    %dot_general3A_419 = tpu.matmul %squeeze3A_415, %mul3A_417, %dot_general3A_418 {dimension_numbers = #tpu.dot_dimension_numbers<[0], [0], [1], [1], [0, 1, 1, 1], [], []>, transpose_lhs_hint = false} : vector<243x243xf32>, vector<243x256xf32>, vector<243x256xf32> -> vector<243x256xf32>
    %mul3A_420 = vector.broadcast %squeeze3A_409 : vector<243x1xf32> to vector<243x256xf32>
    %mul3A_421 = arith.mulf %dot_general3A_419, %mul3A_420 : vector<243x256xf32>
    %dot_general3A_422 = arith.constant dense<0.000000e+00> : vector<243x256xf32>
    %dot_general3A_423 = tpu.matmul %squeeze3A_26, %get3A_151, %dot_general3A_422 {dimension_numbers = #tpu.dot_dimension_numbers<[1], [0], [0], [1], [0, 0, 1, 1], [], []>, transpose_lhs_hint = false} : vector<243x256xf32>, vector<256x256xf32>, vector<243x256xf32> -> vector<243x256xf32>
    %add3A_424 = vector.broadcast %get3A_157 : vector<1x256xf32> to vector<243x256xf32>
    %add3A_425 = arith.addf %dot_general3A_423, %add3A_424 : vector<243x256xf32>
    %add3A_426 = arith.addf %squeeze3A_26, %mul3A_421 : vector<243x256xf32>
    %add3A_427 = arith.addf %add3A_426, %add3A_425 : vector<243x256xf32>
    %max3A_428 = arith.constant 0.000000e+00 : f32
    %max3A_429 = vector.broadcast %max3A_428 : f32 to vector<243x256xf32>
    %max3A_430 = arith.maximumf %add3A_427, %max3A_429 : vector<243x256xf32>
    %slice3A_431 = vector.extract_strided_slice %rsqrt3A {offsets = [12, 0, 0], sizes = [1, 243, 1], strides = [1, 1, 1]} : vector<17x243x1xf32> to vector<1x243x1xf32>
    %squeeze3A_432 = vector.shape_cast %slice3A_431 : vector<1x243x1xf32> to vector<243x1xf32>
    %dot_general3A_433 = arith.constant dense<0.000000e+00> : vector<243x256xf32>
    %dot_general3A_434 = tpu.matmul %squeeze3A_28, %get3A_148, %dot_general3A_433 {dimension_numbers = #tpu.dot_dimension_numbers<[1], [0], [0], [1], [0, 0, 1, 1], [], []>, transpose_lhs_hint = false} : vector<243x256xf32>, vector<256x256xf32>, vector<243x256xf32> -> vector<243x256xf32>
    %add3A_435 = vector.broadcast %get3A_154 : vector<1x256xf32> to vector<243x256xf32>
    %add3A_436 = arith.addf %dot_general3A_434, %add3A_435 : vector<243x256xf32>
    %slice3A_437 = vector.extract_strided_slice %convert_element_type3A_143 {offsets = [12, 0, 0], sizes = [1, 243, 243], strides = [1, 1, 1]} : vector<17x243x243xf32> to vector<1x243x243xf32>
    %squeeze3A_438 = vector.shape_cast %slice3A_437 : vector<1x243x243xf32> to vector<243x243xf32>
    %mul3A_439 = vector.broadcast %squeeze3A_432 : vector<243x1xf32> to vector<243x256xf32>
    %mul3A_440 = arith.mulf %add3A_436, %mul3A_439 : vector<243x256xf32>
    %dot_general3A_441 = arith.constant dense<0.000000e+00> : vector<243x256xf32>
    %dot_general3A_442 = tpu.matmul %squeeze3A_438, %mul3A_440, %dot_general3A_441 {dimension_numbers = #tpu.dot_dimension_numbers<[0], [0], [1], [1], [0, 1, 1, 1], [], []>, transpose_lhs_hint = false} : vector<243x243xf32>, vector<243x256xf32>, vector<243x256xf32> -> vector<243x256xf32>
    %mul3A_443 = vector.broadcast %squeeze3A_432 : vector<243x1xf32> to vector<243x256xf32>
    %mul3A_444 = arith.mulf %dot_general3A_442, %mul3A_443 : vector<243x256xf32>
    %dot_general3A_445 = arith.constant dense<0.000000e+00> : vector<243x256xf32>
    %dot_general3A_446 = tpu.matmul %squeeze3A_28, %get3A_151, %dot_general3A_445 {dimension_numbers = #tpu.dot_dimension_numbers<[1], [0], [0], [1], [0, 0, 1, 1], [], []>, transpose_lhs_hint = false} : vector<243x256xf32>, vector<256x256xf32>, vector<243x256xf32> -> vector<243x256xf32>
    %add3A_447 = vector.broadcast %get3A_157 : vector<1x256xf32> to vector<243x256xf32>
    %add3A_448 = arith.addf %dot_general3A_446, %add3A_447 : vector<243x256xf32>
    %add3A_449 = arith.addf %squeeze3A_28, %mul3A_444 : vector<243x256xf32>
    %add3A_450 = arith.addf %add3A_449, %add3A_448 : vector<243x256xf32>
    %max3A_451 = arith.constant 0.000000e+00 : f32
    %max3A_452 = vector.broadcast %max3A_451 : f32 to vector<243x256xf32>
    %max3A_453 = arith.maximumf %add3A_450, %max3A_452 : vector<243x256xf32>
    %slice3A_454 = vector.extract_strided_slice %rsqrt3A {offsets = [13, 0, 0], sizes = [1, 243, 1], strides = [1, 1, 1]} : vector<17x243x1xf32> to vector<1x243x1xf32>
    %squeeze3A_455 = vector.shape_cast %slice3A_454 : vector<1x243x1xf32> to vector<243x1xf32>
    %dot_general3A_456 = arith.constant dense<0.000000e+00> : vector<243x256xf32>
    %dot_general3A_457 = tpu.matmul %squeeze3A_30, %get3A_148, %dot_general3A_456 {dimension_numbers = #tpu.dot_dimension_numbers<[1], [0], [0], [1], [0, 0, 1, 1], [], []>, transpose_lhs_hint = false} : vector<243x256xf32>, vector<256x256xf32>, vector<243x256xf32> -> vector<243x256xf32>
    %add3A_458 = vector.broadcast %get3A_154 : vector<1x256xf32> to vector<243x256xf32>
    %add3A_459 = arith.addf %dot_general3A_457, %add3A_458 : vector<243x256xf32>
    %slice3A_460 = vector.extract_strided_slice %convert_element_type3A_143 {offsets = [13, 0, 0], sizes = [1, 243, 243], strides = [1, 1, 1]} : vector<17x243x243xf32> to vector<1x243x243xf32>
    %squeeze3A_461 = vector.shape_cast %slice3A_460 : vector<1x243x243xf32> to vector<243x243xf32>
    %mul3A_462 = vector.broadcast %squeeze3A_455 : vector<243x1xf32> to vector<243x256xf32>
    %mul3A_463 = arith.mulf %add3A_459, %mul3A_462 : vector<243x256xf32>
    %dot_general3A_464 = arith.constant dense<0.000000e+00> : vector<243x256xf32>
    %dot_general3A_465 = tpu.matmul %squeeze3A_461, %mul3A_463, %dot_general3A_464 {dimension_numbers = #tpu.dot_dimension_numbers<[0], [0], [1], [1], [0, 1, 1, 1], [], []>, transpose_lhs_hint = false} : vector<243x243xf32>, vector<243x256xf32>, vector<243x256xf32> -> vector<243x256xf32>
    %mul3A_466 = vector.broadcast %squeeze3A_455 : vector<243x1xf32> to vector<243x256xf32>
    %mul3A_467 = arith.mulf %dot_general3A_465, %mul3A_466 : vector<243x256xf32>
    %dot_general3A_468 = arith.constant dense<0.000000e+00> : vector<243x256xf32>
    %dot_general3A_469 = tpu.matmul %squeeze3A_30, %get3A_151, %dot_general3A_468 {dimension_numbers = #tpu.dot_dimension_numbers<[1], [0], [0], [1], [0, 0, 1, 1], [], []>, transpose_lhs_hint = false} : vector<243x256xf32>, vector<256x256xf32>, vector<243x256xf32> -> vector<243x256xf32>
    %add3A_470 = vector.broadcast %get3A_157 : vector<1x256xf32> to vector<243x256xf32>
    %add3A_471 = arith.addf %dot_general3A_469, %add3A_470 : vector<243x256xf32>
    %add3A_472 = arith.addf %squeeze3A_30, %mul3A_467 : vector<243x256xf32>
    %add3A_473 = arith.addf %add3A_472, %add3A_471 : vector<243x256xf32>
    %max3A_474 = arith.constant 0.000000e+00 : f32
    %max3A_475 = vector.broadcast %max3A_474 : f32 to vector<243x256xf32>
    %max3A_476 = arith.maximumf %add3A_473, %max3A_475 : vector<243x256xf32>
    %slice3A_477 = vector.extract_strided_slice %rsqrt3A {offsets = [14, 0, 0], sizes = [1, 243, 1], strides = [1, 1, 1]} : vector<17x243x1xf32> to vector<1x243x1xf32>
    %squeeze3A_478 = vector.shape_cast %slice3A_477 : vector<1x243x1xf32> to vector<243x1xf32>
    %dot_general3A_479 = arith.constant dense<0.000000e+00> : vector<243x256xf32>
    %dot_general3A_480 = tpu.matmul %squeeze3A_32, %get3A_148, %dot_general3A_479 {dimension_numbers = #tpu.dot_dimension_numbers<[1], [0], [0], [1], [0, 0, 1, 1], [], []>, transpose_lhs_hint = false} : vector<243x256xf32>, vector<256x256xf32>, vector<243x256xf32> -> vector<243x256xf32>
    %add3A_481 = vector.broadcast %get3A_154 : vector<1x256xf32> to vector<243x256xf32>
    %add3A_482 = arith.addf %dot_general3A_480, %add3A_481 : vector<243x256xf32>
    %slice3A_483 = vector.extract_strided_slice %convert_element_type3A_143 {offsets = [14, 0, 0], sizes = [1, 243, 243], strides = [1, 1, 1]} : vector<17x243x243xf32> to vector<1x243x243xf32>
    %squeeze3A_484 = vector.shape_cast %slice3A_483 : vector<1x243x243xf32> to vector<243x243xf32>
    %mul3A_485 = vector.broadcast %squeeze3A_478 : vector<243x1xf32> to vector<243x256xf32>
    %mul3A_486 = arith.mulf %add3A_482, %mul3A_485 : vector<243x256xf32>
    %dot_general3A_487 = arith.constant dense<0.000000e+00> : vector<243x256xf32>
    %dot_general3A_488 = tpu.matmul %squeeze3A_484, %mul3A_486, %dot_general3A_487 {dimension_numbers = #tpu.dot_dimension_numbers<[0], [0], [1], [1], [0, 1, 1, 1], [], []>, transpose_lhs_hint = false} : vector<243x243xf32>, vector<243x256xf32>, vector<243x256xf32> -> vector<243x256xf32>
    %mul3A_489 = vector.broadcast %squeeze3A_478 : vector<243x1xf32> to vector<243x256xf32>
    %mul3A_490 = arith.mulf %dot_general3A_488, %mul3A_489 : vector<243x256xf32>
    %dot_general3A_491 = arith.constant dense<0.000000e+00> : vector<243x256xf32>
    %dot_general3A_492 = tpu.matmul %squeeze3A_32, %get3A_151, %dot_general3A_491 {dimension_numbers = #tpu.dot_dimension_numbers<[1], [0], [0], [1], [0, 0, 1, 1], [], []>, transpose_lhs_hint = false} : vector<243x256xf32>, vector<256x256xf32>, vector<243x256xf32> -> vector<243x256xf32>
    %add3A_493 = vector.broadcast %get3A_157 : vector<1x256xf32> to vector<243x256xf32>
    %add3A_494 = arith.addf %dot_general3A_492, %add3A_493 : vector<243x256xf32>
    %add3A_495 = arith.addf %squeeze3A_32, %mul3A_490 : vector<243x256xf32>
    %add3A_496 = arith.addf %add3A_495, %add3A_494 : vector<243x256xf32>
    %max3A_497 = arith.constant 0.000000e+00 : f32
    %max3A_498 = vector.broadcast %max3A_497 : f32 to vector<243x256xf32>
    %max3A_499 = arith.maximumf %add3A_496, %max3A_498 : vector<243x256xf32>
    %slice3A_500 = vector.extract_strided_slice %rsqrt3A {offsets = [15, 0, 0], sizes = [1, 243, 1], strides = [1, 1, 1]} : vector<17x243x1xf32> to vector<1x243x1xf32>
    %squeeze3A_501 = vector.shape_cast %slice3A_500 : vector<1x243x1xf32> to vector<243x1xf32>
    %dot_general3A_502 = arith.constant dense<0.000000e+00> : vector<243x256xf32>
    %dot_general3A_503 = tpu.matmul %squeeze3A_34, %get3A_148, %dot_general3A_502 {dimension_numbers = #tpu.dot_dimension_numbers<[1], [0], [0], [1], [0, 0, 1, 1], [], []>, transpose_lhs_hint = false} : vector<243x256xf32>, vector<256x256xf32>, vector<243x256xf32> -> vector<243x256xf32>
    %add3A_504 = vector.broadcast %get3A_154 : vector<1x256xf32> to vector<243x256xf32>
    %add3A_505 = arith.addf %dot_general3A_503, %add3A_504 : vector<243x256xf32>
    %slice3A_506 = vector.extract_strided_slice %convert_element_type3A_143 {offsets = [15, 0, 0], sizes = [1, 243, 243], strides = [1, 1, 1]} : vector<17x243x243xf32> to vector<1x243x243xf32>
    %squeeze3A_507 = vector.shape_cast %slice3A_506 : vector<1x243x243xf32> to vector<243x243xf32>
    %mul3A_508 = vector.broadcast %squeeze3A_501 : vector<243x1xf32> to vector<243x256xf32>
    %mul3A_509 = arith.mulf %add3A_505, %mul3A_508 : vector<243x256xf32>
    %dot_general3A_510 = arith.constant dense<0.000000e+00> : vector<243x256xf32>
    %dot_general3A_511 = tpu.matmul %squeeze3A_507, %mul3A_509, %dot_general3A_510 {dimension_numbers = #tpu.dot_dimension_numbers<[0], [0], [1], [1], [0, 1, 1, 1], [], []>, transpose_lhs_hint = false} : vector<243x243xf32>, vector<243x256xf32>, vector<243x256xf32> -> vector<243x256xf32>
    %mul3A_512 = vector.broadcast %squeeze3A_501 : vector<243x1xf32> to vector<243x256xf32>
    %mul3A_513 = arith.mulf %dot_general3A_511, %mul3A_512 : vector<243x256xf32>
    %dot_general3A_514 = arith.constant dense<0.000000e+00> : vector<243x256xf32>
    %dot_general3A_515 = tpu.matmul %squeeze3A_34, %get3A_151, %dot_general3A_514 {dimension_numbers = #tpu.dot_dimension_numbers<[1], [0], [0], [1], [0, 0, 1, 1], [], []>, transpose_lhs_hint = false} : vector<243x256xf32>, vector<256x256xf32>, vector<243x256xf32> -> vector<243x256xf32>
    %add3A_516 = vector.broadcast %get3A_157 : vector<1x256xf32> to vector<243x256xf32>
    %add3A_517 = arith.addf %dot_general3A_515, %add3A_516 : vector<243x256xf32>
    %add3A_518 = arith.addf %squeeze3A_34, %mul3A_513 : vector<243x256xf32>
    %add3A_519 = arith.addf %add3A_518, %add3A_517 : vector<243x256xf32>
    %max3A_520 = arith.constant 0.000000e+00 : f32
    %max3A_521 = vector.broadcast %max3A_520 : f32 to vector<243x256xf32>
    %max3A_522 = arith.maximumf %add3A_519, %max3A_521 : vector<243x256xf32>
    %slice3A_523 = vector.extract_strided_slice %rsqrt3A {offsets = [16, 0, 0], sizes = [1, 243, 1], strides = [1, 1, 1]} : vector<17x243x1xf32> to vector<1x243x1xf32>
    %squeeze3A_524 = vector.shape_cast %slice3A_523 : vector<1x243x1xf32> to vector<243x1xf32>
    %dot_general3A_525 = arith.constant dense<0.000000e+00> : vector<243x256xf32>
    %dot_general3A_526 = tpu.matmul %squeeze3A_36, %get3A_148, %dot_general3A_525 {dimension_numbers = #tpu.dot_dimension_numbers<[1], [0], [0], [1], [0, 0, 1, 1], [], []>, transpose_lhs_hint = false} : vector<243x256xf32>, vector<256x256xf32>, vector<243x256xf32> -> vector<243x256xf32>
    %add3A_527 = vector.broadcast %get3A_154 : vector<1x256xf32> to vector<243x256xf32>
    %add3A_528 = arith.addf %dot_general3A_526, %add3A_527 : vector<243x256xf32>
    %slice3A_529 = vector.extract_strided_slice %convert_element_type3A_143 {offsets = [16, 0, 0], sizes = [1, 243, 243], strides = [1, 1, 1]} : vector<17x243x243xf32> to vector<1x243x243xf32>
    %squeeze3A_530 = vector.shape_cast %slice3A_529 : vector<1x243x243xf32> to vector<243x243xf32>
    %mul3A_531 = vector.broadcast %squeeze3A_524 : vector<243x1xf32> to vector<243x256xf32>
    %mul3A_532 = arith.mulf %add3A_528, %mul3A_531 : vector<243x256xf32>
    %dot_general3A_533 = arith.constant dense<0.000000e+00> : vector<243x256xf32>
    %dot_general3A_534 = tpu.matmul %squeeze3A_530, %mul3A_532, %dot_general3A_533 {dimension_numbers = #tpu.dot_dimension_numbers<[0], [0], [1], [1], [0, 1, 1, 1], [], []>, transpose_lhs_hint = false} : vector<243x243xf32>, vector<243x256xf32>, vector<243x256xf32> -> vector<243x256xf32>
    %mul3A_535 = vector.broadcast %squeeze3A_524 : vector<243x1xf32> to vector<243x256xf32>
    %mul3A_536 = arith.mulf %dot_general3A_534, %mul3A_535 : vector<243x256xf32>
    %dot_general3A_537 = arith.constant dense<0.000000e+00> : vector<243x256xf32>
    %dot_general3A_538 = tpu.matmul %squeeze3A_36, %get3A_151, %dot_general3A_537 {dimension_numbers = #tpu.dot_dimension_numbers<[1], [0], [0], [1], [0, 0, 1, 1], [], []>, transpose_lhs_hint = false} : vector<243x256xf32>, vector<256x256xf32>, vector<243x256xf32> -> vector<243x256xf32>
    %add3A_539 = vector.broadcast %get3A_157 : vector<1x256xf32> to vector<243x256xf32>
    %add3A_540 = arith.addf %dot_general3A_538, %add3A_539 : vector<243x256xf32>
    %add3A_541 = arith.addf %squeeze3A_36, %mul3A_536 : vector<243x256xf32>
    %add3A_542 = arith.addf %add3A_541, %add3A_540 : vector<243x256xf32>
    %max3A_543 = arith.constant 0.000000e+00 : f32
    %max3A_544 = vector.broadcast %max3A_543 : f32 to vector<243x256xf32>
    %max3A_545 = arith.maximumf %add3A_542, %max3A_544 : vector<243x256xf32>
    %stack3A_546 = vector.shape_cast %max3A_177 : vector<243x256xf32> to vector<1x243x256xf32>
    %stack3A_547 = vector.shape_cast %max3A_200 : vector<243x256xf32> to vector<1x243x256xf32>
    %stack3A_548 = vector.shape_cast %max3A_223 : vector<243x256xf32> to vector<1x243x256xf32>
    %stack3A_549 = vector.shape_cast %max3A_246 : vector<243x256xf32> to vector<1x243x256xf32>
    %stack3A_550 = vector.shape_cast %max3A_269 : vector<243x256xf32> to vector<1x243x256xf32>
    %stack3A_551 = vector.shape_cast %max3A_292 : vector<243x256xf32> to vector<1x243x256xf32>
    %stack3A_552 = vector.shape_cast %max3A_315 : vector<243x256xf32> to vector<1x243x256xf32>
    %stack3A_553 = vector.shape_cast %max3A_338 : vector<243x256xf32> to vector<1x243x256xf32>
    %stack3A_554 = vector.shape_cast %max3A_361 : vector<243x256xf32> to vector<1x243x256xf32>
    %stack3A_555 = vector.shape_cast %max3A_384 : vector<243x256xf32> to vector<1x243x256xf32>
    %stack3A_556 = vector.shape_cast %max3A_407 : vector<243x256xf32> to vector<1x243x256xf32>
    %stack3A_557 = vector.shape_cast %max3A_430 : vector<243x256xf32> to vector<1x243x256xf32>
    %stack3A_558 = vector.shape_cast %max3A_453 : vector<243x256xf32> to vector<1x243x256xf32>
    %stack3A_559 = vector.shape_cast %max3A_476 : vector<243x256xf32> to vector<1x243x256xf32>
    %stack3A_560 = vector.shape_cast %max3A_499 : vector<243x256xf32> to vector<1x243x256xf32>
    %stack3A_561 = vector.shape_cast %max3A_522 : vector<243x256xf32> to vector<1x243x256xf32>
    %stack3A_562 = vector.shape_cast %max3A_545 : vector<243x256xf32> to vector<1x243x256xf32>
    %stack3A_563 = tpu.concatenate %stack3A_546, %stack3A_547, %stack3A_548, %stack3A_549, %stack3A_550, %stack3A_551, %stack3A_552, %stack3A_553, %stack3A_554, %stack3A_555, %stack3A_556, %stack3A_557, %stack3A_558, %stack3A_559, %stack3A_560, %stack3A_561, %stack3A_562 in 0 : vector<1x243x256xf32>, vector<1x243x256xf32>, vector<1x243x256xf32>, vector<1x243x256xf32>, vector<1x243x256xf32>, vector<1x243x256xf32>, vector<1x243x256xf32>, vector<1x243x256xf32>, vector<1x243x256xf32>, vector<1x243x256xf32>, vector<1x243x256xf32>, vector<1x243x256xf32>, vector<1x243x256xf32>, vector<1x243x256xf32>, vector<1x243x256xf32>, vector<1x243x256xf32>, vector<1x243x256xf32> -> vector<17x243x256xf32>
    %swap3A = arith.constant 0 : index
    %swap3A_564 = arith.constant 0 : index
    %swap3A_565 = arith.constant 0 : index
    %swap3A_566 = arith.constant 0 : index
    %swap3A_567 = vector.load %arg6[%swap3A, %swap3A_564, %swap3A_565, %swap3A_566] : memref<1x17x243x256xf32, #tpu.memory_space<vmem>>, vector<1x17x243x256xf32>
    %swap3A_568 = vector.shape_cast %swap3A_567 : vector<1x17x243x256xf32> to vector<17x243x256xf32>
    %swap3A_569 = vector.shape_cast %stack3A_563 : vector<17x243x256xf32> to vector<1x17x243x256xf32>
    tpu.vector_store %arg6[%swap3A, %swap3A_564, %swap3A_565, %swap3A_566], %swap3A_569 {strides = array<i32>} : memref<1x17x243x256xf32, #tpu.memory_space<vmem>>, vector<1x17x243x256xf32>,
    return
  }
  func.func @transform_0(%arg0: i32) -> (i32, i32, i32, i32) {
    %c0_i32 = arith.constant 0 : i32
    %c0_i32_0 = arith.constant 0 : i32
    %c0_i32_1 = arith.constant 0 : i32
    %c0_i32_2 = arith.constant 0 : i32
    return %arg0, %c0_i32, %c0_i32_0, %c0_i32_1 : i32, i32, i32, i32
  }
  func.func @transform_1(%arg0: i32) -> (i32, i32) {
    %c0_i32 = arith.constant 0 : i32
    %c0_i32_0 = arith.constant 0 : i32
    %c0_i32_1 = arith.constant 0 : i32
    return %c0_i32, %c0_i32_0 : i32, i32
  }
  func.func @transform_2(%arg0: i32) -> (i32, i32) {
    %c0_i32 = arith.constant 0 : i32
    %c0_i32_0 = arith.constant 0 : i32
    %c0_i32_1 = arith.constant 0 : i32
    return %c0_i32, %c0_i32_0 : i32, i32
  }
  func.func @transform_3(%arg0: i32) -> (i32, i32) {
    %c0_i32 = arith.constant 0 : i32
    %c0_i32_0 = arith.constant 0 : i32
    %c0_i32_1 = arith.constant 0 : i32
    return %c0_i32, %c0_i32_0 : i32, i32
  }
  func.func @transform_4(%arg0: i32) -> (i32, i32) {
    %c0_i32 = arith.constant 0 : i32
    %c0_i32_0 = arith.constant 0 : i32
    %c0_i32_1 = arith.constant 0 : i32
    return %c0_i32, %c0_i32_0 : i32, i32
  }
  func.func @transform_5(%arg0: i32) -> (i32, i32, i32, i32) {
    %c0_i32 = arith.constant 0 : i32
    %c0_i32_0 = arith.constant 0 : i32
    %c0_i32_1 = arith.constant 0 : i32
    %c0_i32_2 = arith.constant 0 : i32
    return %arg0, %c0_i32, %c0_i32_0, %c0_i32_1 : i32, i32, i32, i32
  }
}

</mosaic_0001>

<sc_bundles>
// kernel: sparse-core-data-format-call.cloned.1.call-start
scs
called_computation_lowered:
.L_overlay_start_0:
0x0: {  	s2 =	sld [smem:$0x3FD9]  }
0x1: {  	s3 =	sld [smem:$0x3FFE];
	_ =	sdelay $0x1  }
0x2: {  	s1 =	srdreg.scid  }
0x3: {  	s0 =	sand.u32 $0x1, s1  }
0x4: {  	s18 =	sshll.u32 s0, $0xA;
	s2 =	sadd.s32 s3, s2  }
0x5: {  	s2 =	sadd.s32 s2, s18  }
0x6: {  	[smem:$0x3FC3] =	sst s2  }
0x7: {  	_ = 	snop  }
0x8: {  	s2 =	sld [smem:$0x3FD0];
	(tm) =	ssettm $0x1  }
0x9: {  	s19 =	sld [smem:$0x3FFB];
	_ =	sdelay $0x3  }
0xa: {  	_ =	strace s19  }
0xb: {  	s3 =	sld [smem:$0x3FFC];
	_ =	sdelay $0x3  }
0xc: {  	_ =	strace s3  }
0xd: {  	s3 =	sld [smem:$0x3FFD];
	_ =	sdelay $0x3  }
0xe: {  	_ =	strace s3  }
0xf: {  	_ =	strace $0x8FFFFFFF  }
0x10: {  	s20 =	sld [smem:$0x3FDB];
	_ =	sdelay $0x1  }
0x11: {  	s4 =	simm.s32 $_scs_section_size  }
0x12: {  	s5 =	simm.s32 $_size__tile_overlayer_lowered;
	s6 =	simm.s32 $_tile_overlayer_lowered  }
0x13: {  	s23 =	simm.s32 $0x1BFF;
	s22 =	sshll.u32 s6, $0x1;
	s3 =	sadd.s32 s4, s20  }
0x14: {  	s7 =	simm.s32 $0x0;
	s21 =	sshll.u32 s5, $0x1;
	s5 =	sadd.s32 s22, s3  }
0x15: {  	[timem:s7], [sflag:s23] =	dma.local [hbm:s5], s21  }
0x16: {  	_ =	swait.ge [sflag:s23], s21  }
0x17: {  	s4 =	ssub.s32 $0x0, s21;
	[sflag:s23] =	ssyncset.done $0x0  }
0x18: {  	[sflag:s23] =	ssyncadd.s32 s4;
	_ =	sdelay $0x1  }
0x19: {  	s24 =	simm.s32 $0x1B8B  }
0x1a: {  	_ =	swait.ge [sflag:s24], $0x1  }
0x1b: {  	[sflag:s24] =	ssyncset.done $0x0  }
0x1c: {  	s26 =	simm.s32 $0x1B8E;
	s25 =	sld [smem:$0x3FFE];
	[sflag:s24] =	ssyncadd.s32 $0xFFFFFFFF  }
0x1d: {  	s27 =	simm.s32 $execute0_lowered;
	[smem:$0x3FD2] =	sst s26  }
0x1e: {  	s5 =	sshll.u32 s27, $0x1;
	_ =	strace $0x80000046;
	[dreg:$0x1] =	wrdreg $0xFFFFFFFF  }
0x1f: {  	s28 =	simm.s32 $_size_execute0_lowered;
	s3 =	sadd.s32 s3, s5;
	[dreg:$0x0] =	wrdreg $0x0  }
0x20: {  	s5 =	sshll.u32 s28, $0x1;
	[dreg:$0x2] =	wrdreg s3  }
0x21: {  	[dreg:$0x3] =	wrdreg s5  }
0x22: {  	[dreg:$0x4] =	wrdreg $0xC0  }
0x23: {  	_ =	task [dreg:s7], $0x5FFFF  }
0x24: {  	[dreg:$0x1] =	wrdreg $0xFFFFFFFF  }
0x25: {  	[dreg:$0x0] =	wrdreg $0x60  }
0x26: {  	[dreg:$0x2] =	wrdreg s25  }
0x27: {  	[dreg:$0x3] =	wrdreg s2  }
0x28: {  	[dreg:$0x4] =	wrdreg $0x9  }
0x29: {  	_ =	task.clear_ibuf [dreg:s7], $0x5FFFF;
	_ =	strace $0x90000046  }
0x2a: {  	s29 =	simm.s32 $0x9;
	_ =	strace $0x80000048  }
0x2b: {  	_ =	swait.ge [sflag:s29], $0x1  }
0x2c: {  	[sflag:s29] =	ssyncadd.s32 $0xFFFFFFFF  }
0x2d: {  	_ =	strace $0x90000048  }
0x2e: {  	_ =	sfence  }
0x2f: {  	s30 =	sld [smem:$0x0];
	_ =	sdelay $0x2  }
0x30: {  	s31 =	sshll.u32 s1, $0xD;
	s1 =	sshrl.u32 s1, $0x2  }
0x31: {  	s3 =	sand.u32 $0x4000, s31;
	s1 =	sadd.s32 s1, s30  }
0x32: {  	s0 =	sor.u32 s3, s0;
	s1 =	sshll.u32 s1, $0x11  }
0x33: {  	s0 =	sor.u32 s1, s0  }
0x34: {  	s0 =	sadd.s32 $0x8F2B, s0  }
0x35: {  	[sflag:s0] =	ssyncadd.remote.s32 $0x1  }
0x36: {  	_ =	sfence.sel $0xFFFF  }
0x37: {  	[dreg:$0x0] =	wrdreg $0xFFFFFFFF;
	(pc) =	sbr.abs _section_cstart, $3  }
0x38: {  	[dreg:$0x1] =	wrdreg $0xFFFFFFFF  }
0x39: {  	_ =	task.clear_ibuf [dreg:s7], $0x2FFFF;
	_ =	strace $0x9FFFFFFF  }
0x3a: {  	(tm) =	ssettm $0x7FFFFFFF  }
0x3b: {  	_ =	shalt  }
tec
execute0_lowered:
.L_overlay_start_1:
0x0: {  	(tag) =	ssettag $0x1  }
0x1: {  	s2 =	stileid.u32  }
0x2: {  	s0 =	srdreg.scid;
	s4 =	rddreg [dreg:$0x0]  }
0x3: {  	_ =	strace $0x80000047;
	s31 =	simm.s32 $0x2;
	s1 =	sshll.u32 s2, $0x3  }
0x4: {  	s2 =	sshll.u32 s2, $0x1;
	s0 =	sshll.u32 s0, $0x5;
	s1 =	sand.u32 $0x18, s1  }
0x5: {  	s21 =	simm.s32 $0x0;
	s0 =	sor.u32 s2, s0;
	s3 =	ssub.s32 $0x20, s1  }
0x6: {  	s10 =	simm.s32 $0x22000;
	s2 =	sand.u32 $0x38, s0;
	s29 =	sand.u32 $0x18, s3  }
0x7: {  	s0 =	simm.s32 $0x1;
	s5 =	ssub.s32 $0xF0, s2;
	p0 =	sne.s32 s29, $0x0  }
0x8: {  	s3 =	sshrl.u32 s3, $0x5;
	s5 =	sshrl.u32 s5, $0x6;
	s0 =	simm.s32 @!p0 $0x0  }
0x9: {  	s11 =	simm.s32 $0x0;
	s30 =	sadd.s32 $0x1, s5;
	s0 =	sadd.s32 s0, s3  }
0xa: {  	s20 =	simm.s32 $0x0;
	s19 =	simm.s32 $0x0;
	s0 =	smul.u32 s30, s0  }
.Ltmp0:
0xb: {  	s12 =	simm.s32 $0x0;
	s13 =	simm.s32 $0x0;
	(pc) =	sbr.rel .LBB1_1-.Ltmp0, $4  }
0xc: {  	s14 =	simm.s32 $0x0;
	s16 =	simm.s32 $0x0;
	s18 =	simm.s32 $0x0  }
0xd: {  	s27 =	simm.s32 $0x0;
	s5 =	simm.s32 $0x1;
	s6 =	smul.u32 $0x11, s0  }
0xe: {  	s7 =	sadd.s32 $0x41E800, s4;
	s17 =	smov.u32 s1;
	[sflag:s5] =	ssyncpa.u1 $0x0  }
0xf: {  	s15 =	smov.u32 s2;
	[sflag:s31] =	ssyncpa.u1 $0x0;
	s8 =	sadd.s32 $0x1, s6  }
.LBB1_7:
0x10: {  	p0 =	slt.u32 s18, $0x2;
	s0 =	smov.u32 s21  }
0x11: {  	s4 =	smov.u32 s20;
	p1 =	sgt.s32 @!p0 s21, $0xEB;
	s3 =	sshra.s32 @!p0 s21, $0x1F  }
0x12: {  	s9 =	sshra.s32 @!p0 s20, $0x1F;
	p1 =	por !p1, p0;
	s3 =	sand.u32 @!p0 s3, s21  }
0x13: {  	s9 =	sand.u32 @!p0 s9, s20;
	s0 =	simm.s32 @p1 $0xEB;
	p1 =	sgt.s32 @!p0 s20, $0x10  }
0x14: {  	s20 =	sshra.s32 @!p0 s19, $0x1F;
	s0 =	ssub.s32 @!p0 s0, s3;
	p1 =	por !p1, p0  }
0x15: {  	s3 =	sadd.s32 @!p0 $0xFFFFFF15, s0;
	s4 =	simm.s32 @p1 $0x10;
	p1 =	sgt.s32 @!p0 s19, $0x18  }
0x16: {  	s4 =	ssub.s32 @!p0 s4, s9;
	p1 =	por !p1, p0;
	s9 =	smov.u32 s19  }
0x17: {  	s19 =	sand.u32 @!p0 s20, s19;
	s20 =	sadd.s32 @!p0 $0xFFFFFFF0, s4;
	s9 =	simm.s32 @p1 $0x18  }
0x18: {  	p1 =	sgt.s32 @!p0 s3, $0x7;
	p2 =	sgt.s32 @!p0 s20, $0x0;
	s3 =	ssub.s32 @!p0 s9, s19  }
0x19: {  	s4 =	ssub.s32 @!p0 $0x11, s4;
	p2 =	por !p2, p0;
	s3 =	sadd.s32 @!p0 $0xFFFFFFE8, s3  }
0x1a: {  	s4 =	simm.s32 @!p2 $0x0;
	p2 =	sgt.s32 @!p0 s3, $0x7;
	s3 =	sshll.u32 @!p0 s3, $0x8  }
0x1b: {  	s0 =	ssub.s32 @!p0 $0xF3, s0;
	s3 =	ssub.s32 @!p0 $0x800, s3;
	p2 =	por !p2, p0  }
0x1c: {  	p1 =	por !p1, p0;
	s9 =	sadd.s32 $0x40, s15;
	s3 =	simm.s32 @!p2 $0x0  }
0x1d: {  	p2 =	sgt.s32 s9, $0xF2;
	s3 =	smul.u32 @!p0 s4, s3;
	s4 =	simm.s32 $0x1  }
0x1e: {  	s0 =	simm.s32 @!p1 $0x0;
	s4 =	simm.s32 @!p2 $0x0  }
0x1f: {  	s0 =	smul.u32 @!p0 s0, s3;
	s3 =	sadd.s32 s4, s16  }
0x20: {  	s22 =	smov.u32 s17;
	s4 =	sadd.s32 $0x20, s17;
	p1 =	sgt.s32 s3, $0x10  }
0x21: {  	s11 =	sadd.s32 $0x4000, s11;
	s21 =	smov.u32 s12;
	s22 =	smov.u32 @p1 s4  }
0x22: {  	s12 =	smov.u32 s15;
	s3 =	simm.s32 @p1 $0x0;
	p1 =	sgt.s32 s22, $0x1F  }
0x23: {  	s20 =	smov.u32 s13;
	s22 =	smov.u32 @p1 s1;
	p1 =	sne.s32 s18, s8  }
.Ltmp1:
0x24: {  	s19 =	smov.u32 s14;
	s13 =	smov.u32 s16;
	(pc) =	sbr.rel @!p1 .LBB1_8-.Ltmp1, $4  }
0x25: {  	s9 =	smov.u32 @p2 s2;
	s0 =	sand.u32 @!p0 $0x3FFFFF00, s0;
	s4 =	simm.s32 @!p0 $0x2  }
0x26: {  	s14 =	smov.u32 s17;
	s15 =	smov.u32 s9;
	_ =	swait.ge @!p0 [sflag:s4], s0  }
0x27: {  	s0 =	ssub.s32 @!p0 $0x0, s0;
	s16 =	smov.u32 s3;
	[sflag:s4] =	ssyncset.done @!p0 $0x0  }
0x28: {  	s18 =	sadd.s32 $0x1, s18;
	[sflag:s4] =	ssyncadd.s32 @!p0 s0;
	s17 =	smov.u32 s22  }
.LBB1_1:
0x29: {  	p0 =	sge.u32 s18, s6  }
0x2a: {  	s0 =	sshll.u32 @!p0 s15, $0x8;
	s3 =	sshll.u32 @!p0 s15, $0x7  }
0x2b: {  	s0 =	sand.u32 @!p0 $0xFFFFF800, s0;
	s3 =	sand.u32 @!p0 $0x300, s3  }
0x2c: {  	s0 =	sor.u32 @!p0 s3, s0  }
0x2d: {  	s0 =	sshrl.u32 @!p0 s0, $0x8  }
0x2e: {  	s3 =	smulhi.u32 @!p0 $0x1084211, s0  }
0x2f: {  	s4 =	smul.u32 @!p0 $0x20F00, s17  }
0x30: {  	s3 =	smul.u32 @!p0 $0xF8, s3  }
0x31: {  	s31 =	sadd.s32 $0xFFFFFFFF, s18;
	s9 =	sxor.u32 @!p0 $0xFFFFFFFF, s18;
	s22 =	smul.u32 @!p0 $0x1F00, s16  }
0x32: {  	s4 =	sadd.s32 @!p0 s7, s4;
	s0 =	ssub.s32 @!p0 s0, s3;
	s3 =	sshll.u32 @!p0 s15, $0x4  }
0x33: {  	s9 =	sshll.u32 @!p0 s9, $0xE;
	s4 =	sadd.s32 @!p0 s22, s4;
	s3 =	sand.u32 @!p0 $0x10, s3  }
0x34: {  	s9 =	sand.u32 @!p0 $0x4000, s9;
	s0 =	sshll.u32 @!p0 s0, $0x5;
	s3 =	sadd.s32 @!p0 s3, s4  }
0x35: {  	s4 =	simm.s32 @!p0 $0x107800;
	s0 =	sadd.s32 @!p0 s0, s3;
	s3 =	simm.s32 @!p0 $0x800  }
0x36: {  	[tilespmem:s9], [sflag:$0x1] =	stream.strided.gather @!p0 [hbm4b:s0+s3], $0x4000, s4, s3, $0x38;
	[tilespmem:$0x10000] =	vst v63  }
0x37: {  	p0 =	sge.u32 s31, s6  }
.Ltmp2:
0x38: {  	_ = 	snop;
	(pc) =	sbr.rel @p0 .LBB1_7-.Ltmp2, $1  }
0x39: {  	_ =	sdelay $0x3  }
0x3a: {  	s0 =	sshll.u32 s11, $0x2;
	_ =	swait.ge [sflag:s5], $0x4000;
	s4 =	sshll.u32 s18, $0xE  }
0x3b: {  	p0 =	por $0x0, $0x0;
	s28 =	simm.s32 $0x0;
	s29 =	simm.s32 $0x0  }
0x3c: {  	s0 =	sand.u32 $0x10000, s0;
	[sflag:s5] =	ssyncset.done $0x0;
	s25 =	sand.u32 $0x4000, s4  }
0x3d: {  	s0 =	sshrl.u32 s0, $0x2;
	[sflag:s5] =	ssyncadd.s32 $0xFFFFC000;
	s22 =	sor.u32 $0x8000, s25  }
0x3e: {  	s23 =	sor.u32 $0x40, s0;
	s3 =	sor.u32 $0x8410, s0;
	s26 =	sadd.s32 $0x8400, s0  }
.LBB1_3:
0x3f: {  	v1 =	vld [tilespmem:s23+$0xFFFFFFD0]  }
0x40: {  	v2 =	vld [tilespmem:s23+$0x430]  }
0x41: {  	s0 =	sshll.u32 s29, $0xB;
	v4 =	vld [tilespmem:s23+$0xFFFFFFE0]  }
0x42: {  	v7 =	vld [tilespmem:s23+$0xFFFFFFF0];
	v0 =	vmov s0  }
0x43: {  	v8 =	vld [tilespmem:s23+$0x0]  }
0x44: {  	s9 =	sand.u32 $0x300, s27;
	v9 =	vld [tilespmem:s23+$0x10]  }
0x45: {  	s4 =	sand.u32 $0x80, s27;
	v10 =	vld [tilespmem:s23+$0x20];
	s0 =	sadd.s32 s9, s25  }
0x46: {  	v11 =	vld [tilespmem:s23+$0x30];
	s0 =	sadd.s32 s4, s0;
	s4 =	simm.s32 $0x1;
	[tilespmem:s3+$0x60] =	vst v2  }
0x47: {  	s24 =	sshll.u32 s28, $0x2;
	s4 =	simm.s32 @!p0 $0x0;
	[tilespmem:s3+$0xFFFFFC00] =	vst v1;
	v3 =	vld.idx.msk [tilespmem:v0+s0+$0x400 ss:$0x1], $0xffff  }
0x48: {  	v6 =	vld [tilespmem:s23+$0x3D0];
	s4 =	sshll.u32 s4, $0x9;
	[tilespmem:s3+$0xFFFFFC10] =	vst v4;
	s0 =	sand.u32 $0xFFFFFC00, s24  }
0x49: {  	v5 =	vld [tilespmem:s23+$0x3E0];
	[tilespmem:s3+$0xFFFFFC20] =	vst v7;
	s0 =	sor.u32 s4, s0  }
0x4a: {  	[tilespmem:s3+$0xFFFFFC30] =	vst v8;
	v4 =	vld [tilespmem:s23+$0x400];
	s0 =	sshrl.u32 s0, $0x2  }
0x4b: {  	[tilespmem:s3+$0xFFFFFC40] =	vst v9;
	v1 =	vld [tilespmem:s23+$0x410];
	s30 =	sadd.s32 s0, s26  }
0x4c: {  	[tilespmem:s30+$0x0] =	vst v3;
	v3 =	vld [tilespmem:s23+$0x3F0]  }
0x4d: {  	s31 =	sadd.s32 $0x80, s23;
	[tilespmem:s3+$0xFFFFFC50] =	vst v10;
	v2 =	vld [tilespmem:s23+$0x420];
	s4 =	simm.s32 $0x80  }
0x4e: {  	v7 =	vld [tilespmem:s23+$0xFFFFFFC0];
	[tilespmem:s3+$0xFFFFFC60] =	vst v11;
	s24 =	smov.u32 s3;
	s9 =	sand.u32 $0x300, s4;
	s0 =	simm.s32 $0x100  }
.LBB1_4:
0x4f: {  	p1 =	sne.s32 s0, $0x380;
	v8 =	vld [tilespmem:s31+$0xFFFFFFD0];
	s4 =	sand.u32 $0x80, s4;
	s9 =	sadd.s32 s9, s25;
	[tilespmem:s24+$0x0] =	vst v6  }
0x50: {  	s9 =	sadd.s32 s4, s9;
	v6 =	vld [tilespmem:s31+$0x430];
	[tilespmem:s24+$0x10] =	vst v5;
	s4 =	smov.u32 s0  }
0x51: {  	v5 =	vld.idx.msk [tilespmem:v0+s9+$0x400 ss:$0x1], $0xffff;
	[tilespmem:s24+$0x20] =	vst v3  }
0x52: {  	v3 =	vld [tilespmem:s31+$0xFFFFFFE0];
	[tilespmem:s24+$0x30] =	vst v4  }
0x53: {  	v4 =	vld [tilespmem:s31+$0xFFFFFFF0];
	[tilespmem:s24+$0xFFFFFBF0] =	vst v7  }
0x54: {  	v7 =	vld [tilespmem:s31+$0x0];
	[tilespmem:s24+$0x40] =	vst v1  }
0x55: {  	v1 =	vld [tilespmem:s31+$0x10];
	[tilespmem:s24+$0x50] =	vst v2;
	s24 =	sadd.s32 $0x800, s24  }
0x56: {  	s30 =	sadd.s32 $0x800, s30;
	v2 =	vld [tilespmem:s31+$0x20];
	[tilespmem:s24+$0x60] =	vst v6  }
0x57: {  	v9 =	vld [tilespmem:s31+$0x30];
	[tilespmem:s30+$0x0] =	vst v5  }
0x58: {  	[tilespmem:s24+$0xFFFFFC00] =	vst v8;
	v6 =	vld [tilespmem:s31+$0x3D0]  }
0x59: {  	[tilespmem:s24+$0xFFFFFC10] =	vst v3;
	v5 =	vld [tilespmem:s31+$0x3E0]  }
.Ltmp3:
0x5a: {  	[tilespmem:s24+$0xFFFFFC20] =	vst v4;
	v3 =	vld [tilespmem:s31+$0x3F0];
	(pc) =	sbr.rel @p1 .LBB1_4-.Ltmp3, $4  }
0x5b: {  	[tilespmem:s24+$0xFFFFFC30] =	vst v7;
	v4 =	vld [tilespmem:s31+$0x400]  }
0x5c: {  	[tilespmem:s24+$0xFFFFFC40] =	vst v1;
	v1 =	vld [tilespmem:s31+$0x410]  }
0x5d: {  	[tilespmem:s24+$0xFFFFFC50] =	vst v2;
	v2 =	vld [tilespmem:s31+$0x420]  }
0x5e: {  	s0 =	sadd.s32 $0x80, s0;
	s9 =	sand.u32 $0x300, s4;
	v7 =	vld [tilespmem:s31+$0xFFFFFFC0];
	[tilespmem:s24+$0xFFFFFC60] =	vst v9;
	s31 =	sadd.s32 $0x80, s31  }
0x5f: {  	[tilespmem:s24+$0x0] =	vst v6  }
0x60: {  	[tilespmem:s24+$0x10] =	vst v5  }
0x61: {  	v49 =	vld [tilespmem:s31+$0x430];
	[tilespmem:s24+$0x20] =	vst v3  }
0x62: {  	v50 =	vld [tilespmem:s31+$0xFFFFFFD0];
	[tilespmem:s24+$0x30] =	vst v4  }
0x63: {  	v51 =	vld [tilespmem:s31+$0xFFFFFFE0];
	[tilespmem:s24+$0x40] =	vst v1  }
0x64: {  	v52 =	vld [tilespmem:s31+$0xFFFFFFF0];
	[tilespmem:s24+$0x50] =	vst v2  }
0x65: {  	v53 =	vld [tilespmem:s31+$0x0];
	[tilespmem:s24+$0xFFFFFBF0] =	vst v7;
	s24 =	sadd.s32 $0x800, s24  }
0x66: {  	v54 =	vld [tilespmem:s31+$0x10];
	[tilespmem:s24+$0x60] =	vst v49  }
0x67: {  	v55 =	vld [tilespmem:s31+$0x20];
	[tilespmem:s24+$0xFFFFFC00] =	vst v50  }
0x68: {  	v56 =	vld [tilespmem:s31+$0x30];
	[tilespmem:s24+$0xFFFFFC10] =	vst v51  }
0x69: {  	v57 =	vld [tilespmem:s31+$0x3D0];
	[tilespmem:s24+$0xFFFFFC20] =	vst v52  }
0x6a: {  	v58 =	vld [tilespmem:s31+$0x3E0];
	[tilespmem:s24+$0xFFFFFC30] =	vst v53  }
0x6b: {  	v59 =	vld [tilespmem:s31+$0x3F0];
	[tilespmem:s24+$0xFFFFFC40] =	vst v54  }
0x6c: {  	v60 =	vld [tilespmem:s31+$0x400];
	[tilespmem:s24+$0xFFFFFC50] =	vst v55  }
0x6d: {  	v61 =	vld [tilespmem:s31+$0xFFFFFFC0];
	[tilespmem:s24+$0xFFFFFC60] =	vst v56  }
0x6e: {  	s0 =	sand.u32 $0x80, s4;
	s9 =	sadd.s32 s9, s25;
	v62 =	vld [tilespmem:s31+$0x410];
	[tilespmem:s24+$0x0] =	vst v57  }
0x6f: {  	v63 =	vld [tilespmem:s31+$0x420];
	s29 =	sadd.s32 $0x1, s29;
	s0 =	sadd.s32 s0, s9;
	[tilespmem:s24+$0x10] =	vst v58  }
0x70: {  	p1 =	sne.s32 s29, $0x8;
	v0 =	vld.idx.msk [tilespmem:v0+s0+$0x400 ss:$0x1], $0xffff;
	[tilespmem:s24+$0x20] =	vst v59  }
.Ltmp4:
0x71: {  	[tilespmem:s24+$0x30] =	vst v60;
	(pc) =	sbr.rel @p1 .LBB1_3-.Ltmp4, $4  }
0x72: {  	[tilespmem:s24+$0xFFFFFBF0] =	vst v61  }
0x73: {  	[tilespmem:s24+$0x40] =	vst v62  }
0x74: {  	s30 =	sadd.s32 $0x800, s30;
	s23 =	sadd.s32 $0x800, s23;
	[tilespmem:s24+$0x50] =	vst v63  }
0x75: {  	s28 =	sadd.s32 $0x80, s28;
	p0 =	por !p0, !p0;
	s3 =	sadd.s32 $0x80, s3;
	[tilespmem:s30+$0x0] =	vst v0  }
0x76: {  	p0 =	sgt.s32 s12, $0xEB  }
0x77: {  	s0 =	smov.u32 s12;
	s3 =	sshra.s32 s12, $0x1F;
	s4 =	smov.u32 s13  }
0x78: {  	s9 =	sshll.u32 s14, $0x8;
	s26 =	sshra.s32 s13, $0x1F;
	s23 =	smov.u32 s14  }
0x79: {  	s24 =	sshra.s32 s14, $0x1F;
	s25 =	sshll.u32 s14, $0x7;
	s0 =	simm.s32 @!p0 $0xEB  }
0x7a: {  	s3 =	sand.u32 s3, s12;
	p0 =	sgt.s32 s13, $0x10;
	s24 =	sand.u32 s24, s14  }
0x7b: {  	s9 =	sand.u32 $0x1800, s9;
	s4 =	simm.s32 @!p0 $0x10;
	p0 =	sgt.s32 s14, $0x18  }
0x7c: {  	s0 =	ssub.s32 s0, s3;
	s3 =	sand.u32 s26, s13;
	s23 =	simm.s32 @!p0 $0x18  }
0x7d: {  	s26 =	smul.u32 $0x4400, s12;
	s3 =	ssub.s32 s4, s3;
	s28 =	ssub.s32 s23, s24  }
0x7e: {  	s29 =	sadd.s32 $0xFFFFFF15, s0;
	s30 =	sadd.s32 $0xFFFFFFF0, s3;
	s4 =	sadd.s32 $0xFFFFFFE8, s28  }
0x7f: {  	s3 =	ssub.s32 $0x11, s3;
	p0 =	sgt.s32 s30, $0x0;
	s31 =	sshll.u32 s4, $0x8  }
0x80: {  	s3 =	simm.s32 @p0 $0x0;
	p0 =	sgt.s32 s4, $0x7;
	s4 =	ssub.s32 $0x800, s31  }
0x81: {  	s0 =	ssub.s32 $0xF3, s0;
	s23 =	sand.u32 $0x380, s25;
	s4 =	simm.s32 @p0 $0x0  }
0x82: {  	s28 =	sshll.u32 s13, $0xA;
	p0 =	sgt.s32 s29, $0x7;
	s3 =	smul.u32 s3, s4  }
.Ltmp5:
0x83: {  	s30 =	rddreg [dreg:$0x1];
	s0 =	simm.s32 @p0 $0x0;
	(pc) =	sbr.rel .LBB1_7-.Ltmp5, $4  }
0x84: {  	s29 =	sor.u32 s23, s9;
	s9 =	sadd.s32 s30, s28;
	s0 =	smul.u32 s0, s3  }
0x85: {  	s4 =	sadd.s32 s26, s9;
	s3 =	sshrl.u32 s29, $0x3  }
0x86: {  	s31 =	simm.s32 $0x800;
	s3 =	sadd.s32 s3, s4;
	s0 =	sand.u32 $0x3FFFFF00, s0  }
0x87: {  	[hbm4b:s3+s31] =	stream.strided.scatter [tilespmem:s22], [sflag:$0x2], s0, s10, s31, $0x38;
	[tilespmem:$0x10000] =	vst v63  }
.LBB1_8:
0x88: {  	_ =	sfence.sel $0x180000  }
0x89: {  	s0 =	simm.s32 $0x1;
	[bflag:$0x0] =	sbarrier.arrive $0xFFFF  }
0x8a: {  	s30 =	simm.s32 $0x2;
	[sflag:s0] =	ssyncpa.u1 $0x1  }
0x8b: {  	[sflag:s30] =	ssyncpa.u1 $0x1  }
0x8c: {  	_ =	strace $0x90000047  }
0x8d: {  	s31 =	stileid.u32;
	[bflag:$0x2] =	sbarrier.arrive $0xFFFF  }
0x8e: {  	p0 =	sne.s32 s31, $0x0;
	s0 =	rddreg [dreg:$0x2]  }
0x8f: {  	s0 =	sadd.s32 @!p0 $0x100000, s0  }
0x90: {  	[sflag:s0] =	ssyncadd.tile.s32 @!p0 $0x1;
	_ =	shalt  }
.Lfunc_end1:
_tile_overlayer_lowered:
.L_overlay_start_2:
0x91: {  	(tag) =	ssettag $0x2  }
0x92: {  	s0 =	rddreg [dreg:$0x0];
	s2 =	stileid.u32  }
0x93: {  	s1 =	rddreg [dreg:$0x1];
	p0 =	sne.s32 s2, $0x0  }
0x94: {  	s3 =	rddreg [dreg:$0x2];
	[bflag:$0x3] =	sbarrier.arrive $0xFFFF;
	s2 =	simm.s32 @!p0 $0x1C01  }
0x95: {  	[timem:s3], [sflag:s2] =	dma.local @!p0 [hbm:s0], s1  }
0x96: {  	s0 =	simm.s32 @!p0 $0x1  }
0x97: {  	_ =	swait.ge @!p0 [sflag:s0], s1  }
0x98: {  	s1 =	ssub.s32 @!p0 $0x0, s1;
	[sflag:s0] =	ssyncset.done @!p0 $0x0  }
0x99: {  	[sflag:s0] =	ssyncadd.s32 @!p0 s1  }
0x9a: {  	[bflag:$0x3] =	sbarrier.arrive $0xFFFF  }
0x9b: {  	_ =	shalt  }

</sc_bundles>
